<compile_context>
chip_gen: v7x
topology: tpu7x:2x2x1
jax: 0.10.2.dev20260603
libtpu: 0.0.44.dev20260713+nightly
codegen_flags: <defaults>
</compile_context>

<pallas_src>
import functools

import jax
import jax.numpy as jnp
from jax import lax
from jax.experimental import pallas as pl
from jax.experimental.pallas import tpu as pltpu
from jax.experimental.pallas import tpu_sc as plsc

VOCAB = 100000
EMBED_DIM = 1024
BATCH = 16384

_info = plsc.get_sparse_core_info()
_NC, _NS = _info.num_cores, _info.num_subcores
NW = _NC * _NS
B_PER_W = BATCH // NW
CHUNK = 32
N_CHUNKS = B_PER_W // CHUNK
NBUF = 3
LOOP_ITERS = 4


@functools.partial(
    pl.kernel,
    mesh=plsc.VectorSubcoreMesh(core_axis_name="c", subcore_axis_name="s"),
    out_type=jax.ShapeDtypeStruct((BATCH, EMBED_DIM), jnp.float32),
    scratch_types=[
        pltpu.VMEM((B_PER_W,), jnp.int32),
        *[pltpu.VMEM((CHUNK, EMBED_DIM), jnp.float32) for _ in range(NBUF)],
        *[pltpu.SemaphoreType.DMA for _ in range(2 * NBUF)],
    ],
)
def _gather_kernel(idx_hbm, table_hbm, out_hbm, idx_v, *bufs_and_sems):
    bufs = bufs_and_sems[:NBUF]
    gsems = bufs_and_sems[NBUF:2 * NBUF]
    wsems = bufs_and_sems[2 * NBUF:]
    wid = lax.axis_index("s") * _NC + lax.axis_index("c")
    base = wid * B_PER_W
    pltpu.sync_copy(idx_hbm.at[pl.ds(base, B_PER_W)], idx_v)

    def gather_copy(i, b):
        return pltpu.make_async_copy(
            table_hbm.at[idx_v.at[pl.ds(i * CHUNK, CHUNK)]], bufs[b],
            gsems[b])

    def write_copy(i, b):
        return pltpu.make_async_copy(
            bufs[b], out_hbm.at[pl.ds(base + i * CHUNK, CHUNK)], wsems[b])

    gather_copy(0, 0).start()
    gather_copy(1, 1).start()
    gather_copy(2, 2).start()
    gather_copy(0, 0).wait()
    write_copy(0, 0).start()

    def body(g, carry):
        i0 = 1 + 3 * g
        for k in range(3):
            i = i0 + k
            b = (1 + k) % 3
            bn = k
            gather_copy(i, b).wait()
            write_copy(i, b).start()
            write_copy(i - 1, bn).wait()
            gather_copy(i + 2, bn).start()
        return carry

    lax.fori_loop(0, LOOP_ITERS, body, 0)

    gather_copy(13, 1).wait()
    write_copy(13, 1).start()
    write_copy(12, 0).wait()
    gather_copy(15, 0).start()
    gather_copy(14, 2).wait()
    write_copy(14, 2).start()
    gather_copy(15, 0).wait()
    write_copy(15, 0).start()
    write_copy(13, 1).wait()
    write_copy(14, 2).wait()
    write_copy(15, 0).wait()


def kernel(indices, table):
    return _gather_kernel(indices, table)

# --- scband reference (transcript-rebuilt; emitter-appended) ---
"""Pipeline reference for scband-elmo-embedding-layer-82764019794006 (READ-ONLY COPY).

The authoritative reference and input builder live on the scoring server;
editing this copy changes nothing except your own understanding.
"""

import jax, jax.numpy as jnp
import numpy as np

VOCAB = 100000
EMBED_DIM = 1024
BATCH = 16384


def setup_inputs(seed: int = 0) -> dict:
    key = jax.random.key(seed)
    k1, k2 = jax.random.split(key)
    indices = jax.random.randint(k1, (BATCH,), 0, VOCAB, dtype=jnp.int64 if jax.config.jax_enable_x64 else jnp.int32).astype(jnp.int32)
    table = jax.random.normal(k2, (VOCAB, EMBED_DIM), dtype=jnp.float32)
    return {"indices": indices, "table": table}


def reference(indices, table):
    # The original layer calls a TF-Hub ELMo module on string tokens and returns
    # a [batch, 1024] embedding. We model it faithfully at the tensor level as a
    # lookup of precomputed 1024-dim ELMo embeddings from a vocabulary table:
    # out[b, :] = table[indices[b], :]
    return jnp.take(table, indices, axis=0)

if __name__ == "__main__":
    import jax
    _d = setup_inputs()
    print(jax.jit(kernel)(*tuple(_d.values())))

</pallas_src>

<mosaic_0001>
#map = affine_map<(d0, d1) -> (0)>
#map1 = affine_map<(d0, d1) -> (0, 0)>
module attributes {stable_mosaic.version = 14 : i64} {
  func.func @_gather_kernel(%arg0: i32, %arg1: i32, %arg2: memref<16384xi32, #tpu.memory_space<hbm>>, %arg3: memref<100000x1024xf32, #tpu.memory_space<hbm>>, %arg4: memref<16384x1024xf32, #tpu.memory_space<hbm>>, %arg5: memref<512xi32, #tpu.memory_space<vmem>>, %arg6: memref<32x1024xf32, #tpu.memory_space<vmem>>, %arg7: memref<32x1024xf32, #tpu.memory_space<vmem>>, %arg8: memref<32x1024xf32, #tpu.memory_space<vmem>>, %arg9: memref<!tpu.dma_semaphore, #tpu.memory_space<semaphore_mem>>, %arg10: memref<!tpu.dma_semaphore, #tpu.memory_space<semaphore_mem>>, %arg11: memref<!tpu.dma_semaphore, #tpu.memory_space<semaphore_mem>>, %arg12: memref<!tpu.dma_semaphore, #tpu.memory_space<semaphore_mem>>, %arg13: memref<!tpu.dma_semaphore, #tpu.memory_space<semaphore_mem>>, %arg14: memref<!tpu.dma_semaphore, #tpu.memory_space<semaphore_mem>>) attributes {dimension_semantics = [#tpu.dimension_semantics<core_parallel>, #tpu.dimension_semantics<subcore_parallel>], iteration_bounds = array<i64: 2, 16>, scalar_prefetch = 0 : i64, scratch_operands = 10 : i64, tpu.core_type = #tpu.core_type<sc_vector_subcore>, window_params = [{transform_indices = #map}, {transform_indices = #map1}, {transform_indices = #map1}]} {
    %mul3A = arith.constant 2 : i32
    %mul3A_0 = arith.muli %arg1, %mul3A : i32
    %add3A = arith.addi %mul3A_0, %arg0 : i32
    %mul3A_1 = arith.constant 512 : i32
    %mul3A_2 = arith.muli %add3A, %mul3A_1 : i32
    "tpu.region"() ({
      %run_scoped3A = tpu.sem_alloc : memref<!tpu.dma_semaphore, #tpu.memory_space<semaphore_mem>>
      %dma_start3A_94 = tpu.memref_slice %arg2[%mul3A_2] : memref<16384xi32, #tpu.memory_space<hbm>> -> memref<512xi32, #tpu.memory_space<hbm>>
      %dma_start3A_95 = tpu.memref_slice %arg2[%mul3A_2] : memref<16384xi32, #tpu.memory_space<hbm>> -> memref<512xi32, #tpu.memory_space<hbm>>
      tpu.enqueue_dma source(%dma_start3A_95 : memref<512xi32, #tpu.memory_space<hbm>>) target(%arg5 : memref<512xi32, #tpu.memory_space<vmem>>) target_semaphore(%run_scoped3A : memref<!tpu.dma_semaphore, #tpu.memory_space<semaphore_mem>>)
      %dma_wait3A_96 = tpu.memref_slice %arg2[%mul3A_2] : memref<16384xi32, #tpu.memory_space<hbm>> -> memref<512xi32, #tpu.memory_space<hbm>>
      %dma_wait3A_97 = tpu.memref_slice %arg2[%mul3A_2] : memref<16384xi32, #tpu.memory_space<hbm>> -> memref<512xi32, #tpu.memory_space<hbm>>
      tpu.wait_dma2 semaphore(%run_scoped3A : memref<!tpu.dma_semaphore, #tpu.memory_space<semaphore_mem>>) src(%dma_wait3A_97 : memref<512xi32, #tpu.memory_space<hbm>>) dst(%arg5 : memref<512xi32, #tpu.memory_space<vmem>>)
      tpu.yield
    }) : () -> ()
    %dma_start3A = arith.constant 0 : i32
    %dma_start3A_3 = tpu.memref_slice %arg5[%dma_start3A] : memref<512xi32, #tpu.memory_space<vmem>> -> memref<32xi32, #tpu.memory_space<vmem>>
    %dma_start3A_4 = arith.constant 0 : i32
    %dma_start3A_5 = arith.constant 0 : i32
    %dma_start3A_6 = tpu.memref_slice %arg3[%dma_start3A_4, %dma_start3A_5] : memref<100000x1024xf32, #tpu.memory_space<hbm>> -> memref<100000x1024xf32, #tpu.memory_space<hbm>>
    tpu.enqueue_indirect_dma source(%dma_start3A_6 : memref<100000x1024xf32, #tpu.memory_space<hbm>>) target(%arg6 : memref<32x1024xf32, #tpu.memory_space<vmem>>) offsets(%dma_start3A_3 : memref<32xi32, #tpu.memory_space<vmem>>) semaphore(%arg9 : memref<!tpu.dma_semaphore, #tpu.memory_space<semaphore_mem>>)
    %dma_start3A_7 = arith.constant 32 : i32
    %dma_start3A_8 = tpu.memref_slice %arg5[%dma_start3A_7] : memref<512xi32, #tpu.memory_space<vmem>> -> memref<32xi32, #tpu.memory_space<vmem>>
    %dma_start3A_9 = arith.constant 0 : i32
    %dma_start3A_10 = arith.constant 0 : i32
    %dma_start3A_11 = tpu.memref_slice %arg3[%dma_start3A_9, %dma_start3A_10] : memref<100000x1024xf32, #tpu.memory_space<hbm>> -> memref<100000x1024xf32, #tpu.memory_space<hbm>>
    tpu.enqueue_indirect_dma source(%dma_start3A_11 : memref<100000x1024xf32, #tpu.memory_space<hbm>>) target(%arg7 : memref<32x1024xf32, #tpu.memory_space<vmem>>) offsets(%dma_start3A_8 : memref<32xi32, #tpu.memory_space<vmem>>) semaphore(%arg10 : memref<!tpu.dma_semaphore, #tpu.memory_space<semaphore_mem>>)
    %dma_start3A_12 = arith.constant 64 : i32
    %dma_start3A_13 = tpu.memref_slice %arg5[%dma_start3A_12] : memref<512xi32, #tpu.memory_space<vmem>> -> memref<32xi32, #tpu.memory_space<vmem>>
    %dma_start3A_14 = arith.constant 0 : i32
    %dma_start3A_15 = arith.constant 0 : i32
    %dma_start3A_16 = tpu.memref_slice %arg3[%dma_start3A_14, %dma_start3A_15] : memref<100000x1024xf32, #tpu.memory_space<hbm>> -> memref<100000x1024xf32, #tpu.memory_space<hbm>>
    tpu.enqueue_indirect_dma source(%dma_start3A_16 : memref<100000x1024xf32, #tpu.memory_space<hbm>>) target(%arg8 : memref<32x1024xf32, #tpu.memory_space<vmem>>) offsets(%dma_start3A_13 : memref<32xi32, #tpu.memory_space<vmem>>) semaphore(%arg11 : memref<!tpu.dma_semaphore, #tpu.memory_space<semaphore_mem>>)
    %dma_wait3A = arith.constant 0 : i32
    %dma_wait3A_17 = tpu.memref_slice %arg5[%dma_wait3A] : memref<512xi32, #tpu.memory_space<vmem>> -> memref<32xi32, #tpu.memory_space<vmem>>
    %dma_wait3A_18 = arith.constant 0 : i32
    %dma_wait3A_19 = arith.constant 0 : i32
    %dma_wait3A_20 = tpu.memref_slice %arg3[%dma_wait3A_18, %dma_wait3A_19] : memref<100000x1024xf32, #tpu.memory_space<hbm>> -> memref<100000x1024xf32, #tpu.memory_space<hbm>>
    tpu.wait_indirect_dma semaphore(%arg9 : memref<!tpu.dma_semaphore, #tpu.memory_space<semaphore_mem>>) src(%dma_wait3A_20 : memref<100000x1024xf32, #tpu.memory_space<hbm>>) dst(%arg6 : memref<32x1024xf32, #tpu.memory_space<vmem>>)
    %add3A_21 = arith.constant 0 : i32
    %add3A_22 = arith.addi %mul3A_2, %add3A_21 : i32
    %dma_start3A_23 = arith.constant 0 : i32
    %dma_start3A_24 = tpu.memref_slice %arg4[%add3A_22, %dma_start3A_23] : memref<16384x1024xf32, #tpu.memory_space<hbm>> -> memref<32x1024xf32, #tpu.memory_space<hbm>>
    %dma_start3A_25 = arith.constant 0 : i32
    %dma_start3A_26 = tpu.memref_slice %arg4[%add3A_22, %dma_start3A_25] : memref<16384x1024xf32, #tpu.memory_space<hbm>> -> memref<32x1024xf32, #tpu.memory_space<hbm>>
    tpu.enqueue_dma source(%arg6 : memref<32x1024xf32, #tpu.memory_space<vmem>>) target(%dma_start3A_26 : memref<32x1024xf32, #tpu.memory_space<hbm>>) target_semaphore(%arg12 : memref<!tpu.dma_semaphore, #tpu.memory_space<semaphore_mem>>)
    %scan3A = arith.constant 0 : i32
    %scan3A_27 = arith.constant 0 : i32
    %scan3A_28 = arith.constant 4 : i32
    %scan3A_29 = arith.addi %scan3A_27, %scan3A_28 : i32
    %scan3A_30 = arith.constant 1 : i32
    scf.for %scan3A_94 = %scan3A_27 to %scan3A_29 step %scan3A_30  : i32 {
      %mul3A_95 = arith.constant 3 : i32
      %mul3A_96 = arith.muli %mul3A_95, %scan3A_94 : i32
      %add3A_97 = arith.constant 1 : i32
      %add3A_98 = arith.addi %add3A_97, %mul3A_96 : i32
      %add3A_99 = arith.constant 0 : i32
      %add3A_100 = arith.addi %add3A_98, %add3A_99 : i32
      %mul3A_101 = arith.constant 32 : i32
      %mul3A_102 = arith.muli %add3A_100, %mul3A_101 : i32
      %dma_wait3A_103 = tpu.memref_slice %arg5[%mul3A_102] : memref<512xi32, #tpu.memory_space<vmem>> -> memref<32xi32, #tpu.memory_space<vmem>>
      %dma_wait3A_104 = arith.constant 0 : i32
      %dma_wait3A_105 = arith.constant 0 : i32
      %dma_wait3A_106 = tpu.memref_slice %arg3[%dma_wait3A_104, %dma_wait3A_105] : memref<100000x1024xf32, #tpu.memory_space<hbm>> -> memref<100000x1024xf32, #tpu.memory_space<hbm>>
      tpu.wait_indirect_dma semaphore(%arg10 : memref<!tpu.dma_semaphore, #tpu.memory_space<semaphore_mem>>) src(%dma_wait3A_106 : memref<100000x1024xf32, #tpu.memory_space<hbm>>) dst(%arg7 : memref<32x1024xf32, #tpu.memory_space<vmem>>)
      %mul3A_107 = arith.constant 32 : i32
      %mul3A_108 = arith.muli %add3A_100, %mul3A_107 : i32
      %add3A_109 = arith.addi %mul3A_2, %mul3A_108 : i32
      %dma_start3A_110 = arith.constant 0 : i32
      %dma_start3A_111 = tpu.memref_slice %arg4[%add3A_109, %dma_start3A_110] : memref<16384x1024xf32, #tpu.memory_space<hbm>> -> memref<32x1024xf32, #tpu.memory_space<hbm>>
      %dma_start3A_112 = arith.constant 0 : i32
      %dma_start3A_113 = tpu.memref_slice %arg4[%add3A_109, %dma_start3A_112] : memref<16384x1024xf32, #tpu.memory_space<hbm>> -> memref<32x1024xf32, #tpu.memory_space<hbm>>
      tpu.enqueue_dma source(%arg7 : memref<32x1024xf32, #tpu.memory_space<vmem>>) target(%dma_start3A_113 : memref<32x1024xf32, #tpu.memory_space<hbm>>) target_semaphore(%arg13 : memref<!tpu.dma_semaphore, #tpu.memory_space<semaphore_mem>>)
      %sub3A = arith.constant 1 : i32
      %sub3A_114 = arith.subi %add3A_100, %sub3A : i32
      %mul3A_115 = arith.constant 32 : i32
      %mul3A_116 = arith.muli %sub3A_114, %mul3A_115 : i32
      %add3A_117 = arith.addi %mul3A_2, %mul3A_116 : i32
      %dma_wait3A_118 = arith.constant 0 : i32
      %dma_wait3A_119 = tpu.memref_slice %arg4[%add3A_117, %dma_wait3A_118] : memref<16384x1024xf32, #tpu.memory_space<hbm>> -> memref<32x1024xf32, #tpu.memory_space<hbm>>
      %dma_wait3A_120 = arith.constant 0 : i32
      %dma_wait3A_121 = tpu.memref_slice %arg4[%add3A_117, %dma_wait3A_120] : memref<16384x1024xf32, #tpu.memory_space<hbm>> -> memref<32x1024xf32, #tpu.memory_space<hbm>>
      tpu.wait_dma2 semaphore(%arg12 : memref<!tpu.dma_semaphore, #tpu.memory_space<semaphore_mem>>) src(%arg6 : memref<32x1024xf32, #tpu.memory_space<vmem>>) dst(%dma_wait3A_121 : memref<32x1024xf32, #tpu.memory_space<hbm>>)
      %add3A_122 = arith.constant 2 : i32
      %add3A_123 = arith.addi %add3A_100, %add3A_122 : i32
      %mul3A_124 = arith.constant 32 : i32
      %mul3A_125 = arith.muli %add3A_123, %mul3A_124 : i32
      %dma_start3A_126 = tpu.memref_slice %arg5[%mul3A_125] : memref<512xi32, #tpu.memory_space<vmem>> -> memref<32xi32, #tpu.memory_space<vmem>>
      %dma_start3A_127 = arith.constant 0 : i32
      %dma_start3A_128 = arith.constant 0 : i32
      %dma_start3A_129 = tpu.memref_slice %arg3[%dma_start3A_127, %dma_start3A_128] : memref<100000x1024xf32, #tpu.memory_space<hbm>> -> memref<100000x1024xf32, #tpu.memory_space<hbm>>
      tpu.enqueue_indirect_dma source(%dma_start3A_129 : memref<100000x1024xf32, #tpu.memory_space<hbm>>) target(%arg6 : memref<32x1024xf32, #tpu.memory_space<vmem>>) offsets(%dma_start3A_126 : memref<32xi32, #tpu.memory_space<vmem>>) semaphore(%arg9 : memref<!tpu.dma_semaphore, #tpu.memory_space<semaphore_mem>>)
      %add3A_130 = arith.constant 1 : i32
      %add3A_131 = arith.addi %add3A_98, %add3A_130 : i32
      %mul3A_132 = arith.constant 32 : i32
      %mul3A_133 = arith.muli %add3A_131, %mul3A_132 : i32
      %dma_wait3A_134 = tpu.memref_slice %arg5[%mul3A_133] : memref<512xi32, #tpu.memory_space<vmem>> -> memref<32xi32, #tpu.memory_space<vmem>>
      %dma_wait3A_135 = arith.constant 0 : i32
      %dma_wait3A_136 = arith.constant 0 : i32
      %dma_wait3A_137 = tpu.memref_slice %arg3[%dma_wait3A_135, %dma_wait3A_136] : memref<100000x1024xf32, #tpu.memory_space<hbm>> -> memref<100000x1024xf32, #tpu.memory_space<hbm>>
      tpu.wait_indirect_dma semaphore(%arg11 : memref<!tpu.dma_semaphore, #tpu.memory_space<semaphore_mem>>) src(%dma_wait3A_137 : memref<100000x1024xf32, #tpu.memory_space<hbm>>) dst(%arg8 : memref<32x1024xf32, #tpu.memory_space<vmem>>)
      %mul3A_138 = arith.constant 32 : i32
      %mul3A_139 = arith.muli %add3A_131, %mul3A_138 : i32
      %add3A_140 = arith.addi %mul3A_2, %mul3A_139 : i32
      %dma_start3A_141 = arith.constant 0 : i32
      %dma_start3A_142 = tpu.memref_slice %arg4[%add3A_140, %dma_start3A_141] : memref<16384x1024xf32, #tpu.memory_space<hbm>> -> memref<32x1024xf32, #tpu.memory_space<hbm>>
      %dma_start3A_143 = arith.constant 0 : i32
      %dma_start3A_144 = tpu.memref_slice %arg4[%add3A_140, %dma_start3A_143] : memref<16384x1024xf32, #tpu.memory_space<hbm>> -> memref<32x1024xf32, #tpu.memory_space<hbm>>
      tpu.enqueue_dma source(%arg8 : memref<32x1024xf32, #tpu.memory_space<vmem>>) target(%dma_start3A_144 : memref<32x1024xf32, #tpu.memory_space<hbm>>) target_semaphore(%arg14 : memref<!tpu.dma_semaphore, #tpu.memory_space<semaphore_mem>>)
      %sub3A_145 = arith.constant 1 : i32
      %sub3A_146 = arith.subi %add3A_131, %sub3A_145 : i32
      %mul3A_147 = arith.constant 32 : i32
      %mul3A_148 = arith.muli %sub3A_146, %mul3A_147 : i32
      %add3A_149 = arith.addi %mul3A_2, %mul3A_148 : i32
      %dma_wait3A_150 = arith.constant 0 : i32
      %dma_wait3A_151 = tpu.memref_slice %arg4[%add3A_149, %dma_wait3A_150] : memref<16384x1024xf32, #tpu.memory_space<hbm>> -> memref<32x1024xf32, #tpu.memory_space<hbm>>
      %dma_wait3A_152 = arith.constant 0 : i32
      %dma_wait3A_153 = tpu.memref_slice %arg4[%add3A_149, %dma_wait3A_152] : memref<16384x1024xf32, #tpu.memory_space<hbm>> -> memref<32x1024xf32, #tpu.memory_space<hbm>>
      tpu.wait_dma2 semaphore(%arg13 : memref<!tpu.dma_semaphore, #tpu.memory_space<semaphore_mem>>) src(%arg7 : memref<32x1024xf32, #tpu.memory_space<vmem>>) dst(%dma_wait3A_153 : memref<32x1024xf32, #tpu.memory_space<hbm>>)
      %add3A_154 = arith.constant 2 : i32
      %add3A_155 = arith.addi %add3A_131, %add3A_154 : i32
      %mul3A_156 = arith.constant 32 : i32
      %mul3A_157 = arith.muli %add3A_155, %mul3A_156 : i32
      %dma_start3A_158 = tpu.memref_slice %arg5[%mul3A_157] : memref<512xi32, #tpu.memory_space<vmem>> -> memref<32xi32, #tpu.memory_space<vmem>>
      %dma_start3A_159 = arith.constant 0 : i32
      %dma_start3A_160 = arith.constant 0 : i32
      %dma_start3A_161 = tpu.memref_slice %arg3[%dma_start3A_159, %dma_start3A_160] : memref<100000x1024xf32, #tpu.memory_space<hbm>> -> memref<100000x1024xf32, #tpu.memory_space<hbm>>
      tpu.enqueue_indirect_dma source(%dma_start3A_161 : memref<100000x1024xf32, #tpu.memory_space<hbm>>) target(%arg7 : memref<32x1024xf32, #tpu.memory_space<vmem>>) offsets(%dma_start3A_158 : memref<32xi32, #tpu.memory_space<vmem>>) semaphore(%arg10 : memref<!tpu.dma_semaphore, #tpu.memory_space<semaphore_mem>>)
      %add3A_162 = arith.constant 2 : i32
      %add3A_163 = arith.addi %add3A_98, %add3A_162 : i32
      %mul3A_164 = arith.constant 32 : i32
      %mul3A_165 = arith.muli %add3A_163, %mul3A_164 : i32
      %dma_wait3A_166 = tpu.memref_slice %arg5[%mul3A_165] : memref<512xi32, #tpu.memory_space<vmem>> -> memref<32xi32, #tpu.memory_space<vmem>>
      %dma_wait3A_167 = arith.constant 0 : i32
      %dma_wait3A_168 = arith.constant 0 : i32
      %dma_wait3A_169 = tpu.memref_slice %arg3[%dma_wait3A_167, %dma_wait3A_168] : memref<100000x1024xf32, #tpu.memory_space<hbm>> -> memref<100000x1024xf32, #tpu.memory_space<hbm>>
      tpu.wait_indirect_dma semaphore(%arg9 : memref<!tpu.dma_semaphore, #tpu.memory_space<semaphore_mem>>) src(%dma_wait3A_169 : memref<100000x1024xf32, #tpu.memory_space<hbm>>) dst(%arg6 : memref<32x1024xf32, #tpu.memory_space<vmem>>)
      %mul3A_170 = arith.constant 32 : i32
      %mul3A_171 = arith.muli %add3A_163, %mul3A_170 : i32
      %add3A_172 = arith.addi %mul3A_2, %mul3A_171 : i32
      %dma_start3A_173 = arith.constant 0 : i32
      %dma_start3A_174 = tpu.memref_slice %arg4[%add3A_172, %dma_start3A_173] : memref<16384x1024xf32, #tpu.memory_space<hbm>> -> memref<32x1024xf32, #tpu.memory_space<hbm>>
      %dma_start3A_175 = arith.constant 0 : i32
      %dma_start3A_176 = tpu.memref_slice %arg4[%add3A_172, %dma_start3A_175] : memref<16384x1024xf32, #tpu.memory_space<hbm>> -> memref<32x1024xf32, #tpu.memory_space<hbm>>
      tpu.enqueue_dma source(%arg6 : memref<32x1024xf32, #tpu.memory_space<vmem>>) target(%dma_start3A_176 : memref<32x1024xf32, #tpu.memory_space<hbm>>) target_semaphore(%arg12 : memref<!tpu.dma_semaphore, #tpu.memory_space<semaphore_mem>>)
      %sub3A_177 = arith.constant 1 : i32
      %sub3A_178 = arith.subi %add3A_163, %sub3A_177 : i32
      %mul3A_179 = arith.constant 32 : i32
      %mul3A_180 = arith.muli %sub3A_178, %mul3A_179 : i32
      %add3A_181 = arith.addi %mul3A_2, %mul3A_180 : i32
      %dma_wait3A_182 = arith.constant 0 : i32
      %dma_wait3A_183 = tpu.memref_slice %arg4[%add3A_181, %dma_wait3A_182] : memref<16384x1024xf32, #tpu.memory_space<hbm>> -> memref<32x1024xf32, #tpu.memory_space<hbm>>
      %dma_wait3A_184 = arith.constant 0 : i32
      %dma_wait3A_185 = tpu.memref_slice %arg4[%add3A_181, %dma_wait3A_184] : memref<16384x1024xf32, #tpu.memory_space<hbm>> -> memref<32x1024xf32, #tpu.memory_space<hbm>>
      tpu.wait_dma2 semaphore(%arg14 : memref<!tpu.dma_semaphore, #tpu.memory_space<semaphore_mem>>) src(%arg8 : memref<32x1024xf32, #tpu.memory_space<vmem>>) dst(%dma_wait3A_185 : memref<32x1024xf32, #tpu.memory_space<hbm>>)
      %add3A_186 = arith.constant 2 : i32
      %add3A_187 = arith.addi %add3A_163, %add3A_186 : i32
      %mul3A_188 = arith.constant 32 : i32
      %mul3A_189 = arith.muli %add3A_187, %mul3A_188 : i32
      %dma_start3A_190 = tpu.memref_slice %arg5[%mul3A_189] : memref<512xi32, #tpu.memory_space<vmem>> -> memref<32xi32, #tpu.memory_space<vmem>>
      %dma_start3A_191 = arith.constant 0 : i32
      %dma_start3A_192 = arith.constant 0 : i32
      %dma_start3A_193 = tpu.memref_slice %arg3[%dma_start3A_191, %dma_start3A_192] : memref<100000x1024xf32, #tpu.memory_space<hbm>> -> memref<100000x1024xf32, #tpu.memory_space<hbm>>
      tpu.enqueue_indirect_dma source(%dma_start3A_193 : memref<100000x1024xf32, #tpu.memory_space<hbm>>) target(%arg8 : memref<32x1024xf32, #tpu.memory_space<vmem>>) offsets(%dma_start3A_190 : memref<32xi32, #tpu.memory_space<vmem>>) semaphore(%arg11 : memref<!tpu.dma_semaphore, #tpu.memory_space<semaphore_mem>>)
    }
    %scan3A_31 = arith.constant 4 : i32
    %dma_wait3A_32 = arith.constant 416 : i32
    %dma_wait3A_33 = tpu.memref_slice %arg5[%dma_wait3A_32] : memref<512xi32, #tpu.memory_space<vmem>> -> memref<32xi32, #tpu.memory_space<vmem>>
    %dma_wait3A_34 = arith.constant 0 : i32
    %dma_wait3A_35 = arith.constant 0 : i32
    %dma_wait3A_36 = tpu.memref_slice %arg3[%dma_wait3A_34, %dma_wait3A_35] : memref<100000x1024xf32, #tpu.memory_space<hbm>> -> memref<100000x1024xf32, #tpu.memory_space<hbm>>
    tpu.wait_indirect_dma semaphore(%arg10 : memref<!tpu.dma_semaphore, #tpu.memory_space<semaphore_mem>>) src(%dma_wait3A_36 : memref<100000x1024xf32, #tpu.memory_space<hbm>>) dst(%arg7 : memref<32x1024xf32, #tpu.memory_space<vmem>>)
    %add3A_37 = arith.constant 416 : i32
    %add3A_38 = arith.addi %mul3A_2, %add3A_37 : i32
    %dma_start3A_39 = arith.constant 0 : i32
    %dma_start3A_40 = tpu.memref_slice %arg4[%add3A_38, %dma_start3A_39] : memref<16384x1024xf32, #tpu.memory_space<hbm>> -> memref<32x1024xf32, #tpu.memory_space<hbm>>
    %dma_start3A_41 = arith.constant 0 : i32
    %dma_start3A_42 = tpu.memref_slice %arg4[%add3A_38, %dma_start3A_41] : memref<16384x1024xf32, #tpu.memory_space<hbm>> -> memref<32x1024xf32, #tpu.memory_space<hbm>>
    tpu.enqueue_dma source(%arg7 : memref<32x1024xf32, #tpu.memory_space<vmem>>) target(%dma_start3A_42 : memref<32x1024xf32, #tpu.memory_space<hbm>>) target_semaphore(%arg13 : memref<!tpu.dma_semaphore, #tpu.memory_space<semaphore_mem>>)
    %add3A_43 = arith.constant 384 : i32
    %add3A_44 = arith.addi %mul3A_2, %add3A_43 : i32
    %dma_wait3A_45 = arith.constant 0 : i32
    %dma_wait3A_46 = tpu.memref_slice %arg4[%add3A_44, %dma_wait3A_45] : memref<16384x1024xf32, #tpu.memory_space<hbm>> -> memref<32x1024xf32, #tpu.memory_space<hbm>>
    %dma_wait3A_47 = arith.constant 0 : i32
    %dma_wait3A_48 = tpu.memref_slice %arg4[%add3A_44, %dma_wait3A_47] : memref<16384x1024xf32, #tpu.memory_space<hbm>> -> memref<32x1024xf32, #tpu.memory_space<hbm>>
    tpu.wait_dma2 semaphore(%arg12 : memref<!tpu.dma_semaphore, #tpu.memory_space<semaphore_mem>>) src(%arg6 : memref<32x1024xf32, #tpu.memory_space<vmem>>) dst(%dma_wait3A_48 : memref<32x1024xf32, #tpu.memory_space<hbm>>)
    %dma_start3A_49 = arith.constant 480 : i32
    %dma_start3A_50 = tpu.memref_slice %arg5[%dma_start3A_49] : memref<512xi32, #tpu.memory_space<vmem>> -> memref<32xi32, #tpu.memory_space<vmem>>
    %dma_start3A_51 = arith.constant 0 : i32
    %dma_start3A_52 = arith.constant 0 : i32
    %dma_start3A_53 = tpu.memref_slice %arg3[%dma_start3A_51, %dma_start3A_52] : memref<100000x1024xf32, #tpu.memory_space<hbm>> -> memref<100000x1024xf32, #tpu.memory_space<hbm>>
    tpu.enqueue_indirect_dma source(%dma_start3A_53 : memref<100000x1024xf32, #tpu.memory_space<hbm>>) target(%arg6 : memref<32x1024xf32, #tpu.memory_space<vmem>>) offsets(%dma_start3A_50 : memref<32xi32, #tpu.memory_space<vmem>>) semaphore(%arg9 : memref<!tpu.dma_semaphore, #tpu.memory_space<semaphore_mem>>)
    %dma_wait3A_54 = arith.constant 448 : i32
    %dma_wait3A_55 = tpu.memref_slice %arg5[%dma_wait3A_54] : memref<512xi32, #tpu.memory_space<vmem>> -> memref<32xi32, #tpu.memory_space<vmem>>
    %dma_wait3A_56 = arith.constant 0 : i32
    %dma_wait3A_57 = arith.constant 0 : i32
    %dma_wait3A_58 = tpu.memref_slice %arg3[%dma_wait3A_56, %dma_wait3A_57] : memref<100000x1024xf32, #tpu.memory_space<hbm>> -> memref<100000x1024xf32, #tpu.memory_space<hbm>>
    tpu.wait_indirect_dma semaphore(%arg11 : memref<!tpu.dma_semaphore, #tpu.memory_space<semaphore_mem>>) src(%dma_wait3A_58 : memref<100000x1024xf32, #tpu.memory_space<hbm>>) dst(%arg8 : memref<32x1024xf32, #tpu.memory_space<vmem>>)
    %add3A_59 = arith.constant 448 : i32
    %add3A_60 = arith.addi %mul3A_2, %add3A_59 : i32
    %dma_start3A_61 = arith.constant 0 : i32
    %dma_start3A_62 = tpu.memref_slice %arg4[%add3A_60, %dma_start3A_61] : memref<16384x1024xf32, #tpu.memory_space<hbm>> -> memref<32x1024xf32, #tpu.memory_space<hbm>>
    %dma_start3A_63 = arith.constant 0 : i32
    %dma_start3A_64 = tpu.memref_slice %arg4[%add3A_60, %dma_start3A_63] : memref<16384x1024xf32, #tpu.memory_space<hbm>> -> memref<32x1024xf32, #tpu.memory_space<hbm>>
    tpu.enqueue_dma source(%arg8 : memref<32x1024xf32, #tpu.memory_space<vmem>>) target(%dma_start3A_64 : memref<32x1024xf32, #tpu.memory_space<hbm>>) target_semaphore(%arg14 : memref<!tpu.dma_semaphore, #tpu.memory_space<semaphore_mem>>)
    %dma_wait3A_65 = arith.constant 480 : i32
    %dma_wait3A_66 = tpu.memref_slice %arg5[%dma_wait3A_65] : memref<512xi32, #tpu.memory_space<vmem>> -> memref<32xi32, #tpu.memory_space<vmem>>
    %dma_wait3A_67 = arith.constant 0 : i32
    %dma_wait3A_68 = arith.constant 0 : i32
    %dma_wait3A_69 = tpu.memref_slice %arg3[%dma_wait3A_67, %dma_wait3A_68] : memref<100000x1024xf32, #tpu.memory_space<hbm>> -> memref<100000x1024xf32, #tpu.memory_space<hbm>>
    tpu.wait_indirect_dma semaphore(%arg9 : memref<!tpu.dma_semaphore, #tpu.memory_space<semaphore_mem>>) src(%dma_wait3A_69 : memref<100000x1024xf32, #tpu.memory_space<hbm>>) dst(%arg6 : memref<32x1024xf32, #tpu.memory_space<vmem>>)
    %add3A_70 = arith.constant 480 : i32
    %add3A_71 = arith.addi %mul3A_2, %add3A_70 : i32
    %dma_start3A_72 = arith.constant 0 : i32
    %dma_start3A_73 = tpu.memref_slice %arg4[%add3A_71, %dma_start3A_72] : memref<16384x1024xf32, #tpu.memory_space<hbm>> -> memref<32x1024xf32, #tpu.memory_space<hbm>>
    %dma_start3A_74 = arith.constant 0 : i32
    %dma_start3A_75 = tpu.memref_slice %arg4[%add3A_71, %dma_start3A_74] : memref<16384x1024xf32, #tpu.memory_space<hbm>> -> memref<32x1024xf32, #tpu.memory_space<hbm>>
    tpu.enqueue_dma source(%arg6 : memref<32x1024xf32, #tpu.memory_space<vmem>>) target(%dma_start3A_75 : memref<32x1024xf32, #tpu.memory_space<hbm>>) target_semaphore(%arg12 : memref<!tpu.dma_semaphore, #tpu.memory_space<semaphore_mem>>)
    %add3A_76 = arith.constant 416 : i32
    %add3A_77 = arith.addi %mul3A_2, %add3A_76 : i32
    %dma_wait3A_78 = arith.constant 0 : i32
    %dma_wait3A_79 = tpu.memref_slice %arg4[%add3A_77, %dma_wait3A_78] : memref<16384x1024xf32, #tpu.memory_space<hbm>> -> memref<32x1024xf32, #tpu.memory_space<hbm>>
    %dma_wait3A_80 = arith.constant 0 : i32
    %dma_wait3A_81 = tpu.memref_slice %arg4[%add3A_77, %dma_wait3A_80] : memref<16384x1024xf32, #tpu.memory_space<hbm>> -> memref<32x1024xf32, #tpu.memory_space<hbm>>
    tpu.wait_dma2 semaphore(%arg13 : memref<!tpu.dma_semaphore, #tpu.memory_space<semaphore_mem>>) src(%arg7 : memref<32x1024xf32, #tpu.memory_space<vmem>>) dst(%dma_wait3A_81 : memref<32x1024xf32, #tpu.memory_space<hbm>>)
    %add3A_82 = arith.constant 448 : i32
    %add3A_83 = arith.addi %mul3A_2, %add3A_82 : i32
    %dma_wait3A_84 = arith.constant 0 : i32
    %dma_wait3A_85 = tpu.memref_slice %arg4[%add3A_83, %dma_wait3A_84] : memref<16384x1024xf32, #tpu.memory_space<hbm>> -> memref<32x1024xf32, #tpu.memory_space<hbm>>
    %dma_wait3A_86 = arith.constant 0 : i32
    %dma_wait3A_87 = tpu.memref_slice %arg4[%add3A_83, %dma_wait3A_86] : memref<16384x1024xf32, #tpu.memory_space<hbm>> -> memref<32x1024xf32, #tpu.memory_space<hbm>>
    tpu.wait_dma2 semaphore(%arg14 : memref<!tpu.dma_semaphore, #tpu.memory_space<semaphore_mem>>) src(%arg8 : memref<32x1024xf32, #tpu.memory_space<vmem>>) dst(%dma_wait3A_87 : memref<32x1024xf32, #tpu.memory_space<hbm>>)
    %add3A_88 = arith.constant 480 : i32
    %add3A_89 = arith.addi %mul3A_2, %add3A_88 : i32
    %dma_wait3A_90 = arith.constant 0 : i32
    %dma_wait3A_91 = tpu.memref_slice %arg4[%add3A_89, %dma_wait3A_90] : memref<16384x1024xf32, #tpu.memory_space<hbm>> -> memref<32x1024xf32, #tpu.memory_space<hbm>>
    %dma_wait3A_92 = arith.constant 0 : i32
    %dma_wait3A_93 = tpu.memref_slice %arg4[%add3A_89, %dma_wait3A_92] : memref<16384x1024xf32, #tpu.memory_space<hbm>> -> memref<32x1024xf32, #tpu.memory_space<hbm>>
    tpu.wait_dma2 semaphore(%arg12 : memref<!tpu.dma_semaphore, #tpu.memory_space<semaphore_mem>>) src(%arg6 : memref<32x1024xf32, #tpu.memory_space<vmem>>) dst(%dma_wait3A_93 : memref<32x1024xf32, #tpu.memory_space<hbm>>)
    return
  }
}

</mosaic_0001>

<sc_bundles>
// kernel: kernel.3.cloned.1.call-start
scs
__scs_entry_jumppad:
0x0: {  	(pc) =	sbr.rel $0x88, $3  }
0x1: {  	(tag) =	ssettag $0x0;
	lr =	simm.s32 $0x1  }
0x2: {  	[smem:$0x3F9F] =	sst lr;
	_ =	strace $0xD0000000  }
0x3: {  	_ = 	snop  }
0x4: {  	_ = 	snop  }
0x5: {  	_ = 	snop  }
0x6: {  	_ = 	snop  }
0x7: {  	_ = 	snop  }
__scs_overlays_trampoline_lowered:
0x8: {  	[smem:$0x3FAE] =	sst s0  }
0x9: {  	[smem:$0x3FAF] =	sst s1  }
0xa: {  	[smem:$0x3FB0] =	sst s2  }
0xb: {  	[smem:$0x3FB1] =	sst s3  }
0xc: {  	[smem:$0x3FB2] =	sst s4  }
0xd: {  	[smem:$0x3FB3] =	sst s5  }
0xe: {  	[smem:$0x3FB4] =	sst s6  }
0xf: {  	[smem:$0x3FB5] =	sst s7  }
0x10: {  	[smem:$0x3FB6] =	sst s8  }
0x11: {  	[smem:$0x3FB7] =	sst s9;
	s0 =	simm.s32 @!p0 $0x0  }
0x12: {  	s1 =	sld [smem:$0x3F9D];
	s0 =	simm.s32 @p0 $0x1  }
0x13: {  	[smem:$0x3FB8] =	sst s0;
	s0 =	simm.s32 @!p1 $0x0  }
0x14: {  	s2 =	sld [smem:$0x3F9C];
	s0 =	simm.s32 @p1 $0x1  }
0x15: {  	[smem:$0x3FB9] =	sst s0;
	s0 =	simm.s32 @!p2 $0x0  }
0x16: {  	s3 =	sld [smem:$0x3FDB];
	s0 =	simm.s32 @p2 $0x1  }
0x17: {  	s4 =	simm.s32 $0x1BF5;
	[smem:$0x3FBB] =	sst s0  }
0x18: {  	s0 =	sld [smem:$0x3F9E];
	_ =	swait.ge [sflag:s4], $0x0  }
0x19: {  	s7 =	sld [smem:$0x3F9F]  }
0x1a: {  	s8 =	sadd.s32 $0xFFFFE003, lr  }
0x1b: {  	s9 =	sadd.s32 $0xFFFFFEF7, lr;
	s5 =	simm.s32 $0xFFFFFFFF;
	p2 =	slt.u32 s8, $0xFFFFF086  }
0x1c: {  	p1 =	slt.u32 s9, $0xF7A;
	s5 =	simm.s32 @!p2 $0x0  }
0x1d: {  	s5 =	simm.s32 @p1 $0x1;
	p0 =	seq.s32 s7, s2  }
0x1e: {  	s7 =	smul.u32 @!p0 $0xF7A, s2;
	p2 =	seq.s32 @!p0 s5, $0x0  }
0x1f: {  	s9 =	smul.u32 $0xF7A, s1;
	s8 =	simm.s32 @!p0 $0x1BF5;
	p2 =	por !p2, p0  }
0x20: {  	[sflag:s8] =	ssyncset.s32 @!p0 $0xFFFFF086;
	s6 =	sadd.s32 @!p0 s3, s7;
	s7 =	simm.s32 @!p0 $0x108  }
0x21: {  	s3 =	sadd.s32 s3, s9;
	s6 =	sadd.s32 @!p0 $0x88, s6;
	s7 =	simm.s32 @p2 $0x1082  }
0x22: {  	[simem:s7], [sflag:s8] =	dma.local @!p0 [hbm:s6], $0xF7A  }
0x23: {  	s9 =	sor.u32 $0xD0000000, s2;
	s6 =	simm.s32 $0x108;
	_ =	swait.ge @!p0 [sflag:s8], $0x0  }
0x24: {  	s3 =	sadd.s32 $0x88, s3;
	s6 =	simm.s32 @!p1 $0x1082;
	[sflag:s4] =	ssyncset.s32 $0xFFFFF086  }
0x25: {  	[simem:s6], [sflag:s4] =	dma.local [hbm:s3], $0xF7A  }
0x26: {  	[smem:$0x3F9F] =	sst s1;
	(tag) =	ssettag s2;
	_ =	strace s9  }
0x27: {  	s1 =	sld [smem:$0x3FAF]  }
0x28: {  	s2 =	sld [smem:$0x3FB0]  }
0x29: {  	s4 =	sld [smem:$0x3FB2]  }
0x2a: {  	p0 =	seq.s32 s5, $0x0;
	s5 =	sld [smem:$0x3FB3]  }
0x2b: {  	s6 =	sld [smem:$0x3FB4]  }
0x2c: {  	s7 =	sld [smem:$0x3FB5]  }
0x2d: {  	s3 =	simm.s32 $0x108;
	s8 =	sld [smem:$0x3FB6]  }
0x2e: {  	s3 =	simm.s32 @!p0 $0x1082;
	s9 =	sld [smem:$0x3FB7]  }
0x2f: {  	lr =	sadd.s32 s0, s3;
	s0 =	sld [smem:$0x3FAE]  }
0x30: {  	s3 =	sld [smem:$0x3FB1]  }
0x31: {  	[smem:$0x3FBA] =	sst s10  }
0x32: {  	s10 =	sld [smem:$0x3FB8];
	_ =	sdelay $0x3  }
0x33: {  	p0 =	seq.s32 s10, $0x1;
	s10 =	sld [smem:$0x3FBA];
	_ =	sdelay $0x3  }
0x34: {  	[smem:$0x3FBA] =	sst s10  }
0x35: {  	s10 =	sld [smem:$0x3FB9];
	_ =	sdelay $0x3  }
0x36: {  	p1 =	seq.s32 s10, $0x1;
	s10 =	sld [smem:$0x3FBA];
	_ =	sdelay $0x3  }
0x37: {  	[smem:$0x3FBA] =	sst s10  }
0x38: {  	s10 =	sld [smem:$0x3FBB]  }
0x39: {  	_ = 	snop;
	(pc) =	sbr.ind lr, $3  }
0x3a: {  	_ = 	snop  }
0x3b: {  	_ = 	snop  }
0x3c: {  	p2 =	seq.s32 s10, $0x1;
	s10 =	sld [smem:$0x3FBA]  }
0x3d: {  	_ =	shalt  }
0x3e: {  	_ =	shalt  }
0x3f: {  	_ =	shalt  }
0x40: {  	_ =	shalt  }
0x41: {  	_ =	shalt  }
0x42: {  	_ =	shalt  }
0x43: {  	_ =	shalt  }
0x44: {  	_ =	shalt  }
0x45: {  	_ =	shalt  }
0x46: {  	_ =	shalt  }
0x47: {  	_ =	shalt  }
0x48: {  	_ =	shalt  }
0x49: {  	_ =	shalt  }
0x4a: {  	_ =	shalt  }
0x4b: {  	_ =	shalt  }
0x4c: {  	_ =	shalt  }
0x4d: {  	_ =	shalt  }
0x4e: {  	_ =	shalt  }
0x4f: {  	_ =	shalt  }
0x50: {  	_ =	shalt  }
0x51: {  	_ =	shalt  }
0x52: {  	_ =	shalt  }
0x53: {  	_ =	shalt  }
0x54: {  	_ =	shalt  }
0x55: {  	_ =	shalt  }
0x56: {  	_ =	shalt  }
0x57: {  	_ =	shalt  }
0x58: {  	_ =	shalt  }
0x59: {  	_ =	shalt  }
0x5a: {  	_ =	shalt  }
0x5b: {  	_ =	shalt  }
0x5c: {  	_ =	shalt  }
0x5d: {  	_ =	shalt  }
0x5e: {  	_ =	shalt  }
0x5f: {  	_ =	shalt  }
0x60: {  	_ =	shalt  }
0x61: {  	_ =	shalt  }
0x62: {  	_ =	shalt  }
0x63: {  	_ =	shalt  }
0x64: {  	_ =	shalt  }
0x65: {  	_ =	shalt  }
0x66: {  	_ =	shalt  }
0x67: {  	_ =	shalt  }
0x68: {  	_ =	shalt  }
0x69: {  	_ =	shalt  }
0x6a: {  	_ =	shalt  }
0x6b: {  	_ =	shalt  }
0x6c: {  	_ =	shalt  }
0x6d: {  	_ =	shalt  }
0x6e: {  	_ =	shalt  }
0x6f: {  	_ =	shalt  }
0x70: {  	_ =	shalt  }
0x71: {  	_ =	shalt  }
0x72: {  	_ =	shalt  }
0x73: {  	_ =	shalt  }
0x74: {  	_ =	shalt  }
0x75: {  	_ =	shalt  }
0x76: {  	_ =	shalt  }
0x77: {  	_ =	shalt  }
0x78: {  	_ =	shalt  }
0x79: {  	_ =	shalt  }
0x7a: {  	_ =	shalt  }
0x7b: {  	_ =	shalt  }
0x7c: {  	_ =	shalt  }
0x7d: {  	_ =	shalt  }
0x7e: {  	_ =	shalt  }
0x7f: {  	_ =	shalt  }
0x80: {  	_ =	shalt  }
0x81: {  	_ =	shalt  }
0x82: {  	_ =	shalt  }
0x83: {  	_ =	shalt  }
0x84: {  	_ =	shalt  }
0x85: {  	_ =	shalt  }
0x86: {  	_ =	shalt  }
0x87: {  	_ =	shalt  }
.Lfunc_end0:
.L_simem_size_0:
called_computation_lowered:
.L_overlay_start_0:
0x88: {  	s2 =	sld [smem:$0x3FD9]  }
0x89: {  	s3 =	sld [smem:$0x3FFE];
	_ =	sdelay $0x1  }
0x8a: {  	s1 =	srdreg.scid  }
0x8b: {  	s0 =	sand.u32 $0x1, s1  }
0x8c: {  	s18 =	sshll.u32 s0, $0xA;
	s2 =	sadd.s32 s3, s2  }
0x8d: {  	s2 =	sadd.s32 s2, s18  }
0x8e: {  	[smem:$0x3FC6] =	sst s2  }
0x8f: {  	_ = 	snop  }
0x90: {  	s2 =	sld [smem:$0x3FC9]  }
0x91: {  	s19 =	sld [smem:$0x3FC8]  }
0x92: {  	s4 =	sld [smem:$0x3FD0];
	(tm) =	ssettm $0x1  }
0x93: {  	s5 =	sld [smem:$0x3FFB];
	_ =	sdelay $0x3  }
0x94: {  	_ =	strace s5  }
0x95: {  	s5 =	sld [smem:$0x3FFC];
	_ =	sdelay $0x3  }
0x96: {  	_ =	strace s5  }
0x97: {  	s5 =	sld [smem:$0x3FFD];
	_ =	sdelay $0x3  }
0x98: {  	_ =	strace s5  }
0x99: {  	_ =	strace $0x8FFFFFFF  }
0x9a: {  	s20 =	sld [smem:$0x3FDB];
	_ =	sdelay $0x1  }
0x9b: {  	s6 =	simm.s32 $_scs_section_size  }
0x9c: {  	s7 =	simm.s32 $_size__tile_overlayer_lowered;
	s8 =	simm.s32 $_tile_overlayer_lowered  }
0x9d: {  	s23 =	simm.s32 $0x1BFF;
	s22 =	sshll.u32 s8, $0x1;
	s5 =	sadd.s32 s6, s20  }
0x9e: {  	s9 =	simm.s32 $0x0;
	s21 =	sshll.u32 s7, $0x1;
	s7 =	sadd.s32 s22, s5  }
0x9f: {  	[timem:s9], [sflag:s23] =	dma.local [hbm:s7], s21  }
0xa0: {  	_ =	swait.ge [sflag:s23], s21  }
0xa1: {  	s6 =	ssub.s32 $0x0, s21;
	[sflag:s23] =	ssyncset.done $0x0  }
0xa2: {  	[sflag:s23] =	ssyncadd.s32 s6;
	_ =	sdelay $0x1  }
0xa3: {  	s24 =	simm.s32 $0x1B8B  }
0xa4: {  	_ =	swait.ge [sflag:s24], $0x1  }
0xa5: {  	[sflag:s24] =	ssyncset.done $0x0  }
0xa6: {  	s25 =	simm.s32 $0x1B8E;
	[sflag:s24] =	ssyncadd.s32 $0xFFFFFFFF  }
0xa7: {  	s26 =	simm.s32 $execute0_lowered;
	[smem:$0x3FD2] =	sst s25  }
0xa8: {  	s6 =	sshll.u32 s26, $0x1;
	_ =	strace $0x80000046;
	[dreg:$0x1] =	wrdreg $0xFFFFFFFF  }
0xa9: {  	s28 =	simm.s32 $_size_execute0_lowered;
	s5 =	sadd.s32 s5, s6;
	[dreg:$0x0] =	wrdreg $0x0  }
0xaa: {  	s6 =	sshll.u32 s28, $0x1;
	[dreg:$0x2] =	wrdreg s5  }
0xab: {  	[dreg:$0x3] =	wrdreg s6  }
0xac: {  	[dreg:$0x4] =	wrdreg $0xC0  }
0xad: {  	_ =	task [dreg:s9], $0x5FFFF  }
0xae: {  	[dreg:$0x1] =	wrdreg $0xFFFFFFFF  }
0xaf: {  	[dreg:$0x0] =	wrdreg $0x60  }
0xb0: {  	[dreg:$0x2] =	wrdreg s2  }
0xb1: {  	[dreg:$0x3] =	wrdreg s19  }
0xb2: {  	[dreg:$0x4] =	wrdreg s4  }
0xb3: {  	[dreg:$0x5] =	wrdreg $0x9  }
0xb4: {  	_ =	task.clear_ibuf [dreg:s9], $0x6FFFF;
	_ =	strace $0x90000046  }
0xb5: {  	s29 =	simm.s32 $0x9;
	_ =	strace $0x80000048  }
0xb6: {  	_ =	swait.ge [sflag:s29], $0x1  }
0xb7: {  	[sflag:s29] =	ssyncadd.s32 $0xFFFFFFFF  }
0xb8: {  	_ =	strace $0x90000048  }
0xb9: {  	_ =	sfence  }
0xba: {  	s30 =	sld [smem:$0x0];
	_ =	sdelay $0x2  }
0xbb: {  	s31 =	sshll.u32 s1, $0xD;
	s1 =	sshrl.u32 s1, $0x2  }
0xbc: {  	s3 =	sand.u32 $0x4000, s31;
	s1 =	sadd.s32 s1, s30  }
0xbd: {  	s0 =	sor.u32 s3, s0;
	s1 =	sshll.u32 s1, $0x11  }
0xbe: {  	s0 =	sor.u32 s1, s0  }
0xbf: {  	s0 =	sadd.s32 $0x8F2B, s0  }
0xc0: {  	[sflag:s0] =	ssyncadd.remote.s32 $0x1  }
0xc1: {  	_ =	sfence.sel $0xFFFF  }
0xc2: {  	[dreg:$0x0] =	wrdreg $0xFFFFFFFF;
	(pc) =	sbr.abs _section_cstart, $3  }
0xc3: {  	[dreg:$0x1] =	wrdreg $0xFFFFFFFF  }
0xc4: {  	_ =	task.clear_ibuf [dreg:s9], $0x2FFFF;
	_ =	strace $0x9FFFFFFF  }
0xc5: {  	(tm) =	ssettm $0x7FFFFFFF  }
tec
execute0_lowered:
.L_overlay_start_1:
0x0: {  	(tag) =	ssettag $0x1  }
0x1: {  	s0 =	rddreg [dreg:$0x0]  }
0x2: {  	s2 =	rddreg [dreg:$0x1]  }
0x3: {  	s1 =	rddreg [dreg:$0x2]  }
0x4: {  	s3 =	srdreg.scid;
	s9 =	stileid.u32  }
0x5: {  	s19 =	simm.s32 $0xAA00;
	s11 =	simm.s32 $0xC200;
	s12 =	simm.s32 $0xD200  }
0x6: {  	s13 =	simm.s32 $0xF200;
	s14 =	simm.s32 $0xFA00;
	s31 =	simm.s32 $0x10200  }
0x7: {  	s28 =	simm.s32 $0x10A00;
	s29 =	simm.s32 $0x1;
	s15 =	simm.s32 $0x2  }
0x8: {  	s30 =	simm.s32 $0x4;
	s16 =	simm.s32 $0x3;
	s17 =	simm.s32 $0x5  }
0x9: {  	s18 =	simm.s32 $0x6;
	s4 =	sand.u32 $0x1, s3;
	s3 =	simm.s32 $0x0  }
0xa: {  	s5 =	sshll.u32 s9, $0xA;
	s22 =	sshll.u32 s9, $0x11;
	s9 =	simm.s32 $0xA200  }
0xb: {  	s6 =	sshll.u32 s4, $0x9;
	[smem:$0x7FF] =	sst s3;
	s7 =	ssub.s32 $0x2, s4  }
0xc: {  	s24 =	sshll.u32 s4, $0x10;
	s4 =	simm.s32 $0x9A00;
	s5 =	sor.u32 s6, s5  }
0xd: {  	_ =	strace $0x80000047;
	s20 =	sshrl.u32 s7, $0x1;
	s6 =	sadd.s32 $0x200, s2  }
0xe: {  	s8 =	sshrl.u32 s5, $0x3;
	s7 =	ssub.s32 s7, s20;
	s21 =	sshll.u32 s5, $0x7  }
0xf: {  	s5 =	sadd.s32 $0x100, s2;
	s20 =	simm.s32 $0x8200;
	s0 =	sadd.s32 s0, s8  }
0x10: {  	s10 =	sadd.s32 s1, s21;
	s8 =	sadd.s32 $0x300, s2;
	[dreg:$0x5] =	wrdreg s0  }
0x11: {  	s26 =	smax.u32 s7, $0x1;
	s21 =	simm.s32 $0x8A00;
	[dreg:$0x6] =	wrdreg s10  }
0x12: {  	s7 =	simm.s32 $0xE200;
	s0 =	sadd.s32 $0xD000, s10;
	[dreg:$0xa] =	wrdreg s26  }
0x13: {  	s23 =	sadd.s32 $0xE000, s10;
	s25 =	sadd.s32 $0xF000, s10;
	[dreg:$0x7] =	wrdreg s0  }
0x14: {  	s10 =	simm.s32 $0xB200;
	s26 =	simm.s32 $0x0;
	[dreg:$0x8] =	wrdreg s23  }
0x15: {  	v2 =	vlaneseq.u32;
	s0 =	sadd.s32 s22, s1;
	[dreg:$0x9] =	wrdreg s25;
	s1 =	simm.s32 $0x9200  }
0x16: {  	vm0 =	vmmov $0xffff;
	v1 =	vshrl.u32 v2, $0x3;
	s22 =	simm.s32 $0xBA00;
	s23 =	simm.s32 $0xCA00;
	s0 =	sadd.s32 s24, s0  }
0x17: {  	v0 =	vand.u32 $0x7, v2;
	v2 =	vor.u32 $0x8, v2;
	v1 =	vmul.u32 $0x8, v1;
	s25 =	simm.s32 $0xEA00;
	s24 =	simm.s32 $0xDA00;
	[dreg:$0x4] =	wrdreg s0  }
.LBB2_1:
0x18: {  	[dreg:$0xb] =	wrdreg s26  }
0x19: {  	s0 =	rddreg [dreg:$0x5];
	s26 =	simm.s32 $0x7  }
0x1a: {  	[tilespmem:s3], [sflag:$0x7] =	stream.linear.gather [hbm4b:s0+s3], $0x200, $0x38;
	[tilespmem:$0x18200] =	vst v63  }
0x1b: {  	_ =	swait.ge [sflag:s26], $0x200  }
0x1c: {  	[sflag:s26] =	ssyncset.done $0x0  }
0x1d: {  	[sflag:s26] =	ssyncadd.s32 $0xFFFFFE00  }
0x1e: {  	v3 =	vld [tilespmem:$0x0];
	_ =	sdelay $0x4  }
0x1f: {  	v4 =	vshll.u32 v3, $0x3  }
0x20: {  	v3 =	vand.u32 $0x7, v3;
	v4 =	vand.u32 $0xFFFFFFC0, v4  }
0x21: {  	v3 =	vor.u32 v3, v4  }
0x22: {  	v4 =	vperm.xlane v3, v0;
	_ =	sdelay $0x1  }
0x23: {  	v4 =	vadd.s32 v1, v4;
	_ =	sdelay $0x3  }
0x24: {  	s26 =	simm.s32 $0x200  }
0x25: {  	[tilespmem:s26], [sflag:$0x1] =	stream.indirect_vreg.gather [hbm4b:s2+s3], $0x80, v4, vm0, $0xb8;
	[tilespmem:$0x18200] =	vst v63  }
0x26: {  	s0 =	simm.s32 $0xA00;
	v3 =	vperm.xlane v3, v2  }
0x27: {  	[tilespmem:s0], [sflag:$0x1] =	stream.indirect_vreg.gather [hbm4b:s5+s3], $0x80, v4, vm0, $0xb8;
	[tilespmem:$0x18200] =	vst v63  }
0x28: {  	v3 =	vadd.s32 v1, v3;
	s0 =	simm.s32 $0x1200  }
0x29: {  	[tilespmem:s0], [sflag:$0x1] =	stream.indirect_vreg.gather [hbm4b:s6+s3], $0x80, v4, vm0, $0xb8;
	[tilespmem:$0x18200] =	vst v63  }
0x2a: {  	s0 =	simm.s32 $0x1A00  }
0x2b: {  	[tilespmem:s0], [sflag:$0x1] =	stream.indirect_vreg.gather [hbm4b:s8+s3], $0x80, v4, vm0, $0xb8;
	[tilespmem:$0x18200] =	vst v63  }
0x2c: {  	s0 =	simm.s32 $0x2200  }
0x2d: {  	[tilespmem:s0], [sflag:$0x1] =	stream.indirect_vreg.gather [hbm4b:s2+s3], $0x80, v3, vm0, $0xb8;
	[tilespmem:$0x18200] =	vst v63  }
0x2e: {  	s0 =	simm.s32 $0x2A00  }
0x2f: {  	[tilespmem:s0], [sflag:$0x1] =	stream.indirect_vreg.gather [hbm4b:s5+s3], $0x80, v3, vm0, $0xb8;
	[tilespmem:$0x18200] =	vst v63  }
0x30: {  	s0 =	simm.s32 $0x3200  }
0x31: {  	[tilespmem:s0], [sflag:$0x1] =	stream.indirect_vreg.gather [hbm4b:s6+s3], $0x80, v3, vm0, $0xb8;
	[tilespmem:$0x18200] =	vst v63  }
0x32: {  	s0 =	simm.s32 $0x3A00  }
0x33: {  	[tilespmem:s0], [sflag:$0x1] =	stream.indirect_vreg.gather [hbm4b:s8+s3], $0x80, v3, vm0, $0xb8;
	[tilespmem:$0x18200] =	vst v63  }
0x34: {  	v3 =	vld [tilespmem:$0x10];
	_ =	sdelay $0x4  }
0x35: {  	v59 =	vshll.u32 v3, $0x3  }
0x36: {  	v3 =	vand.u32 $0x7, v3;
	v4 =	vand.u32 $0xFFFFFFC0, v59  }
0x37: {  	v3 =	vor.u32 v3, v4  }
0x38: {  	v4 =	vperm.xlane v3, v0;
	_ =	sdelay $0x1  }
0x39: {  	v4 =	vadd.s32 v1, v4;
	_ =	sdelay $0x3  }
0x3a: {  	s0 =	simm.s32 $0x4200  }
0x3b: {  	[tilespmem:s0], [sflag:$0x1] =	stream.indirect_vreg.gather [hbm4b:s2+s3], $0x80, v4, vm0, $0xb8;
	[tilespmem:$0x18200] =	vst v63  }
0x3c: {  	v3 =	vperm.xlane v3, v2;
	s0 =	simm.s32 $0x4A00  }
0x3d: {  	[tilespmem:s0], [sflag:$0x1] =	stream.indirect_vreg.gather [hbm4b:s5+s3], $0x80, v4, vm0, $0xb8;
	[tilespmem:$0x18200] =	vst v63  }
0x3e: {  	v3 =	vadd.s32 v1, v3;
	s0 =	simm.s32 $0x5200  }
0x3f: {  	[tilespmem:s0], [sflag:$0x1] =	stream.indirect_vreg.gather [hbm4b:s6+s3], $0x80, v4, vm0, $0xb8;
	[tilespmem:$0x18200] =	vst v63  }
0x40: {  	s0 =	simm.s32 $0x5A00  }
0x41: {  	[tilespmem:s0], [sflag:$0x1] =	stream.indirect_vreg.gather [hbm4b:s8+s3], $0x80, v4, vm0, $0xb8;
	[tilespmem:$0x18200] =	vst v63  }
0x42: {  	s0 =	simm.s32 $0x6200  }
0x43: {  	[tilespmem:s0], [sflag:$0x1] =	stream.indirect_vreg.gather [hbm4b:s2+s3], $0x80, v3, vm0, $0xb8;
	[tilespmem:$0x18200] =	vst v63  }
0x44: {  	s0 =	simm.s32 $0x6A00  }
0x45: {  	[tilespmem:s0], [sflag:$0x1] =	stream.indirect_vreg.gather [hbm4b:s5+s3], $0x80, v3, vm0, $0xb8;
	[tilespmem:$0x18200] =	vst v63  }
0x46: {  	s0 =	simm.s32 $0x7200  }
0x47: {  	[tilespmem:s0], [sflag:$0x1] =	stream.indirect_vreg.gather [hbm4b:s6+s3], $0x80, v3, vm0, $0xb8;
	[tilespmem:$0x18200] =	vst v63  }
0x48: {  	s0 =	simm.s32 $0x7A00  }
0x49: {  	[tilespmem:s0], [sflag:$0x1] =	stream.indirect_vreg.gather [hbm4b:s8+s3], $0x80, v3, vm0, $0xb8;
	[tilespmem:$0x18200] =	vst v63  }
0x4a: {  	v3 =	vld [tilespmem:$0x20];
	_ =	sdelay $0x4  }
0x4b: {  	v60 =	vshll.u32 v3, $0x3  }
0x4c: {  	v3 =	vand.u32 $0x7, v3;
	v4 =	vand.u32 $0xFFFFFFC0, v60  }
0x4d: {  	v3 =	vor.u32 v3, v4  }
0x4e: {  	v4 =	vperm.xlane v3, v0;
	_ =	sdelay $0x1  }
0x4f: {  	v4 =	vadd.s32 v1, v4;
	_ =	sdelay $0x4  }
0x50: {  	[tilespmem:s20], [sflag:$0x2] =	stream.indirect_vreg.gather [hbm4b:s2+s3], $0x80, v4, vm0, $0xb8;
	[tilespmem:$0x18200] =	vst v63  }
0x51: {  	v3 =	vperm.xlane v3, v2  }
0x52: {  	[tilespmem:s21], [sflag:$0x2] =	stream.indirect_vreg.gather [hbm4b:s5+s3], $0x80, v4, vm0, $0xb8;
	[tilespmem:$0x18200] =	vst v63  }
0x53: {  	v3 =	vadd.s32 v1, v3  }
0x54: {  	[tilespmem:s1], [sflag:$0x2] =	stream.indirect_vreg.gather [hbm4b:s6+s3], $0x80, v4, vm0, $0xb8;
	[tilespmem:$0x18200] =	vst v63  }
0x55: {  	_ = 	snop  }
0x56: {  	[tilespmem:s4], [sflag:$0x2] =	stream.indirect_vreg.gather [hbm4b:s8+s3], $0x80, v4, vm0, $0xb8;
	[tilespmem:$0x18200] =	vst v63  }
0x57: {  	_ = 	snop  }
0x58: {  	[tilespmem:s9], [sflag:$0x2] =	stream.indirect_vreg.gather [hbm4b:s2+s3], $0x80, v3, vm0, $0xb8;
	[tilespmem:$0x18200] =	vst v63  }
0x59: {  	_ = 	snop  }
0x5a: {  	[tilespmem:s19], [sflag:$0x2] =	stream.indirect_vreg.gather [hbm4b:s5+s3], $0x80, v3, vm0, $0xb8;
	[tilespmem:$0x18200] =	vst v63  }
0x5b: {  	_ = 	snop  }
0x5c: {  	[tilespmem:s10], [sflag:$0x2] =	stream.indirect_vreg.gather [hbm4b:s6+s3], $0x80, v3, vm0, $0xb8;
	[tilespmem:$0x18200] =	vst v63  }
0x5d: {  	_ = 	snop  }
0x5e: {  	[tilespmem:s22], [sflag:$0x2] =	stream.indirect_vreg.gather [hbm4b:s8+s3], $0x80, v3, vm0, $0xb8;
	[tilespmem:$0x18200] =	vst v63  }
0x5f: {  	v3 =	vld [tilespmem:$0x30];
	_ =	sdelay $0x4  }
0x60: {  	v61 =	vshll.u32 v3, $0x3  }
0x61: {  	v3 =	vand.u32 $0x7, v3;
	v4 =	vand.u32 $0xFFFFFFC0, v61  }
0x62: {  	v3 =	vor.u32 v3, v4  }
0x63: {  	v4 =	vperm.xlane v3, v0;
	_ =	sdelay $0x1  }
0x64: {  	v4 =	vadd.s32 v1, v4;
	_ =	sdelay $0x4  }
0x65: {  	[tilespmem:s11], [sflag:$0x2] =	stream.indirect_vreg.gather [hbm4b:s2+s3], $0x80, v4, vm0, $0xb8;
	[tilespmem:$0x18200] =	vst v63  }
0x66: {  	v3 =	vperm.xlane v3, v2  }
0x67: {  	[tilespmem:s23], [sflag:$0x2] =	stream.indirect_vreg.gather [hbm4b:s5+s3], $0x80, v4, vm0, $0xb8;
	[tilespmem:$0x18200] =	vst v63  }
0x68: {  	v3 =	vadd.s32 v1, v3  }
0x69: {  	[tilespmem:s12], [sflag:$0x2] =	stream.indirect_vreg.gather [hbm4b:s6+s3], $0x80, v4, vm0, $0xb8;
	[tilespmem:$0x18200] =	vst v63  }
0x6a: {  	_ = 	snop  }
0x6b: {  	[tilespmem:s24], [sflag:$0x2] =	stream.indirect_vreg.gather [hbm4b:s8+s3], $0x80, v4, vm0, $0xb8;
	[tilespmem:$0x18200] =	vst v63  }
0x6c: {  	_ = 	snop  }
0x6d: {  	[tilespmem:s7], [sflag:$0x2] =	stream.indirect_vreg.gather [hbm4b:s2+s3], $0x80, v3, vm0, $0xb8;
	[tilespmem:$0x18200] =	vst v63  }
0x6e: {  	_ = 	snop  }
0x6f: {  	[tilespmem:s25], [sflag:$0x2] =	stream.indirect_vreg.gather [hbm4b:s5+s3], $0x80, v3, vm0, $0xb8;
	[tilespmem:$0x18200] =	vst v63  }
0x70: {  	_ = 	snop  }
0x71: {  	[tilespmem:s13], [sflag:$0x2] =	stream.indirect_vreg.gather [hbm4b:s6+s3], $0x80, v3, vm0, $0xb8;
	[tilespmem:$0x18200] =	vst v63  }
0x72: {  	_ = 	snop  }
0x73: {  	[tilespmem:s14], [sflag:$0x2] =	stream.indirect_vreg.gather [hbm4b:s8+s3], $0x80, v3, vm0, $0xb8;
	[tilespmem:$0x18200] =	vst v63  }
0x74: {  	v3 =	vld [tilespmem:$0x40];
	_ =	sdelay $0x4  }
0x75: {  	v62 =	vshll.u32 v3, $0x3  }
0x76: {  	v3 =	vand.u32 $0x7, v3;
	v4 =	vand.u32 $0xFFFFFFC0, v62  }
0x77: {  	v3 =	vor.u32 v3, v4  }
0x78: {  	v4 =	vperm.xlane v3, v0;
	_ =	sdelay $0x1  }
0x79: {  	v4 =	vadd.s32 v1, v4;
	_ =	sdelay $0x4  }
0x7a: {  	[tilespmem:s31], [sflag:$0x3] =	stream.indirect_vreg.gather [hbm4b:s2+s3], $0x80, v4, vm0, $0xb8;
	[tilespmem:$0x18200] =	vst v63  }
0x7b: {  	v3 =	vperm.xlane v3, v2  }
0x7c: {  	[tilespmem:s28], [sflag:$0x3] =	stream.indirect_vreg.gather [hbm4b:s5+s3], $0x80, v4, vm0, $0xb8;
	[tilespmem:$0x18200] =	vst v63  }
0x7d: {  	s7 =	simm.s32 $0x11200;
	v3 =	vadd.s32 v1, v3  }
0x7e: {  	[tilespmem:s7], [sflag:$0x3] =	stream.indirect_vreg.gather [hbm4b:s6+s3], $0x80, v4, vm0, $0xb8;
	[tilespmem:$0x18200] =	vst v63  }
0x7f: {  	s9 =	simm.s32 $0x11A00  }
0x80: {  	[tilespmem:s9], [sflag:$0x3] =	stream.indirect_vreg.gather [hbm4b:s8+s3], $0x80, v4, vm0, $0xb8;
	[tilespmem:$0x18200] =	vst v63  }
0x81: {  	s10 =	simm.s32 $0x12200  }
0x82: {  	[tilespmem:s10], [sflag:$0x3] =	stream.indirect_vreg.gather [hbm4b:s2+s3], $0x80, v3, vm0, $0xb8;
	[tilespmem:$0x18200] =	vst v63  }
0x83: {  	s11 =	simm.s32 $0x12A00  }
0x84: {  	[tilespmem:s11], [sflag:$0x3] =	stream.indirect_vreg.gather [hbm4b:s5+s3], $0x80, v3, vm0, $0xb8;
	[tilespmem:$0x18200] =	vst v63  }
0x85: {  	s12 =	simm.s32 $0x13200  }
0x86: {  	[tilespmem:s12], [sflag:$0x3] =	stream.indirect_vreg.gather [hbm4b:s6+s3], $0x80, v3, vm0, $0xb8;
	[tilespmem:$0x18200] =	vst v63  }
0x87: {  	s13 =	simm.s32 $0x13A00  }
0x88: {  	[tilespmem:s13], [sflag:$0x3] =	stream.indirect_vreg.gather [hbm4b:s8+s3], $0x80, v3, vm0, $0xb8;
	[tilespmem:$0x18200] =	vst v63  }
0x89: {  	v3 =	vld [tilespmem:$0x50];
	_ =	sdelay $0x4  }
0x8a: {  	v63 =	vshll.u32 v3, $0x3  }
0x8b: {  	v3 =	vand.u32 $0x7, v3;
	v4 =	vand.u32 $0xFFFFFFC0, v63  }
0x8c: {  	v3 =	vor.u32 v3, v4  }
0x8d: {  	v4 =	vperm.xlane v3, v0;
	_ =	sdelay $0x1  }
0x8e: {  	v4 =	vadd.s32 v1, v4;
	_ =	sdelay $0x3  }
0x8f: {  	s14 =	simm.s32 $0x14200  }
0x90: {  	[tilespmem:s14], [sflag:$0x3] =	stream.indirect_vreg.gather [hbm4b:s2+s3], $0x80, v4, vm0, $0xb8;
	[tilespmem:$0x18200] =	vst v63  }
0x91: {  	s19 =	simm.s32 $0x14A00;
	v3 =	vperm.xlane v3, v2  }
0x92: {  	[tilespmem:s19], [sflag:$0x3] =	stream.indirect_vreg.gather [hbm4b:s5+s3], $0x80, v4, vm0, $0xb8;
	[tilespmem:$0x18200] =	vst v63  }
0x93: {  	s20 =	simm.s32 $0x15200;
	v3 =	vadd.s32 v1, v3  }
0x94: {  	[tilespmem:s20], [sflag:$0x3] =	stream.indirect_vreg.gather [hbm4b:s6+s3], $0x80, v4, vm0, $0xb8;
	[tilespmem:$0x18200] =	vst v63  }
0x95: {  	s21 =	simm.s32 $0x15A00  }
0x96: {  	[tilespmem:s21], [sflag:$0x3] =	stream.indirect_vreg.gather [hbm4b:s8+s3], $0x80, v4, vm0, $0xb8;
	[tilespmem:$0x18200] =	vst v63  }
0x97: {  	s22 =	simm.s32 $0x16200  }
0x98: {  	[tilespmem:s22], [sflag:$0x3] =	stream.indirect_vreg.gather [hbm4b:s2+s3], $0x80, v3, vm0, $0xb8;
	[tilespmem:$0x18200] =	vst v63  }
0x99: {  	s0 =	simm.s32 $0x0;
	s4 =	simm.s32 $0x9200;
	s23 =	simm.s32 $0x16A00  }
0x9a: {  	[tilespmem:s23], [sflag:$0x3] =	stream.indirect_vreg.gather [hbm4b:s5+s3], $0x80, v3, vm0, $0xb8;
	[tilespmem:$0x18200] =	vst v63  }
0x9b: {  	s24 =	simm.s32 $0x17200;
	s25 =	simm.s32 $0x17A00;
	s28 =	simm.s32 $0xEA00  }
0x9c: {  	[tilespmem:s24], [sflag:$0x3] =	stream.indirect_vreg.gather [hbm4b:s6+s3], $0x80, v3, vm0, $0xb8;
	[tilespmem:$0x18200] =	vst v63  }
0x9d: {  	s7 =	simm.s32 $0xE200;
	s10 =	simm.s32 $0xB200;
	s11 =	simm.s32 $0x10A00  }
0x9e: {  	[tilespmem:s25], [sflag:$0x3] =	stream.indirect_vreg.gather [hbm4b:s8+s3], $0x80, v3, vm0, $0xb8;
	[tilespmem:$0x18200] =	vst v63  }
0x9f: {  	s12 =	simm.s32 $0xD200;
	s13 =	simm.s32 $0xF200;
	_ =	swait.ge [sflag:s29], $0x8000  }
0xa0: {  	s14 =	simm.s32 $0xFA00;
	s19 =	simm.s32 $0xB0;
	[sflag:s29] =	ssyncset.done $0x0  }
0xa1: {  	s22 =	simm.s32 $0x9A00;
	s31 =	rddreg [dreg:$0x6];
	[sflag:s29] =	ssyncadd.s32 $0xFFFF8000  }
0xa2: {  	[hbm4b:s31+s3] =	stream.linear.scatter [tilespmem:s26], [sflag:$0x4], $0x8000, $0x38;
	[tilespmem:$0x18200] =	vst v63  }
0xa3: {  	s24 =	simm.s32 $0xBA00;
	s25 =	simm.s32 $0xCA00;
	s26 =	simm.s32 $0xDA00  }
.LBB2_2:
0xa4: {  	_ =	swait.ge [sflag:s15], $0x8000  }
0xa5: {  	s1 =	rddreg [dreg:$0x4]  }
0xa6: {  	[sflag:s15] =	ssyncset.done $0x0;
	s1 =	sadd.s32 s0, s1  }
0xa7: {  	s9 =	simm.s32 $0x8200;
	[sflag:s15] =	ssyncadd.s32 $0xFFFF8000;
	s21 =	sadd.s32 $0x1000, s1  }
0xa8: {  	[hbm4b:s21+s3] =	stream.linear.scatter [tilespmem:s9], [sflag:$0x5], $0x8000, $0x38;
	[tilespmem:$0x18200] =	vst v63  }
0xa9: {  	_ =	swait.ge [sflag:s30], $0x8000  }
0xaa: {  	[sflag:s30] =	ssyncset.done $0x0  }
0xab: {  	[sflag:s30] =	ssyncadd.s32 $0xFFFF8000  }
0xac: {  	v3 =	vld [tilespmem:s19+$0xFFFFFFB0];
	_ =	sdelay $0x4  }
0xad: {  	v4 =	vshll.u32 v3, $0x3  }
0xae: {  	v3 =	vand.u32 $0x7, v3;
	v4 =	vand.u32 $0xFFFFFFC0, v4  }
0xaf: {  	v3 =	vor.u32 v3, v4  }
0xb0: {  	v4 =	vperm.xlane v3, v0;
	_ =	sdelay $0x1  }
0xb1: {  	v4 =	vadd.s32 v1, v4;
	_ =	sdelay $0x3  }
0xb2: {  	s31 =	simm.s32 $0x200  }
0xb3: {  	[tilespmem:s31], [sflag:$0x1] =	stream.indirect_vreg.gather [hbm4b:s2+s3], $0x80, v4, vm0, $0xb8;
	[tilespmem:$0x18200] =	vst v63  }
0xb4: {  	s23 =	simm.s32 $0xA00;
	v3 =	vperm.xlane v3, v2  }
0xb5: {  	[tilespmem:s23], [sflag:$0x1] =	stream.indirect_vreg.gather [hbm4b:s5+s3], $0x80, v4, vm0, $0xb8;
	[tilespmem:$0x18200] =	vst v63  }
0xb6: {  	s20 =	simm.s32 $0x1200;
	v3 =	vadd.s32 v1, v3  }
0xb7: {  	[tilespmem:s20], [sflag:$0x1] =	stream.indirect_vreg.gather [hbm4b:s6+s3], $0x80, v4, vm0, $0xb8;
	[tilespmem:$0x18200] =	vst v63  }
0xb8: {  	s23 =	simm.s32 $0x1A00  }
0xb9: {  	[tilespmem:s23], [sflag:$0x1] =	stream.indirect_vreg.gather [hbm4b:s8+s3], $0x80, v4, vm0, $0xb8;
	[tilespmem:$0x18200] =	vst v63  }
0xba: {  	s20 =	simm.s32 $0x2200  }
0xbb: {  	[tilespmem:s20], [sflag:$0x1] =	stream.indirect_vreg.gather [hbm4b:s2+s3], $0x80, v3, vm0, $0xb8;
	[tilespmem:$0x18200] =	vst v63  }
0xbc: {  	s23 =	simm.s32 $0x2A00  }
0xbd: {  	[tilespmem:s23], [sflag:$0x1] =	stream.indirect_vreg.gather [hbm4b:s5+s3], $0x80, v3, vm0, $0xb8;
	[tilespmem:$0x18200] =	vst v63  }
0xbe: {  	s20 =	simm.s32 $0x3200  }
0xbf: {  	[tilespmem:s20], [sflag:$0x1] =	stream.indirect_vreg.gather [hbm4b:s6+s3], $0x80, v3, vm0, $0xb8;
	[tilespmem:$0x18200] =	vst v63  }
0xc0: {  	s23 =	simm.s32 $0x3A00  }
0xc1: {  	[tilespmem:s23], [sflag:$0x1] =	stream.indirect_vreg.gather [hbm4b:s8+s3], $0x80, v3, vm0, $0xb8;
	[tilespmem:$0x18200] =	vst v63  }
0xc2: {  	v3 =	vld [tilespmem:s19+$0xFFFFFFC0];
	_ =	sdelay $0x4  }
0xc3: {  	v59 =	vshll.u32 v3, $0x3  }
0xc4: {  	v3 =	vand.u32 $0x7, v3;
	v4 =	vand.u32 $0xFFFFFFC0, v59  }
0xc5: {  	v3 =	vor.u32 v3, v4  }
0xc6: {  	v4 =	vperm.xlane v3, v0;
	_ =	sdelay $0x1  }
0xc7: {  	v4 =	vadd.s32 v1, v4;
	_ =	sdelay $0x3  }
0xc8: {  	s20 =	simm.s32 $0x4200  }
0xc9: {  	[tilespmem:s20], [sflag:$0x1] =	stream.indirect_vreg.gather [hbm4b:s2+s3], $0x80, v4, vm0, $0xb8;
	[tilespmem:$0x18200] =	vst v63  }
0xca: {  	s23 =	simm.s32 $0x4A00;
	v3 =	vperm.xlane v3, v2  }
0xcb: {  	[tilespmem:s23], [sflag:$0x1] =	stream.indirect_vreg.gather [hbm4b:s5+s3], $0x80, v4, vm0, $0xb8;
	[tilespmem:$0x18200] =	vst v63  }
0xcc: {  	v3 =	vadd.s32 v1, v3;
	s20 =	simm.s32 $0x5200  }
0xcd: {  	[tilespmem:s20], [sflag:$0x1] =	stream.indirect_vreg.gather [hbm4b:s6+s3], $0x80, v4, vm0, $0xb8;
	[tilespmem:$0x18200] =	vst v63  }
0xce: {  	s23 =	simm.s32 $0x5A00  }
0xcf: {  	[tilespmem:s23], [sflag:$0x1] =	stream.indirect_vreg.gather [hbm4b:s8+s3], $0x80, v4, vm0, $0xb8;
	[tilespmem:$0x18200] =	vst v63  }
0xd0: {  	s20 =	simm.s32 $0x6200  }
0xd1: {  	[tilespmem:s20], [sflag:$0x1] =	stream.indirect_vreg.gather [hbm4b:s2+s3], $0x80, v3, vm0, $0xb8;
	[tilespmem:$0x18200] =	vst v63  }
0xd2: {  	s23 =	simm.s32 $0x6A00  }
0xd3: {  	[tilespmem:s23], [sflag:$0x1] =	stream.indirect_vreg.gather [hbm4b:s5+s3], $0x80, v3, vm0, $0xb8;
	[tilespmem:$0x18200] =	vst v63  }
0xd4: {  	s20 =	simm.s32 $0x7200  }
0xd5: {  	[tilespmem:s20], [sflag:$0x1] =	stream.indirect_vreg.gather [hbm4b:s6+s3], $0x80, v3, vm0, $0xb8;
	[tilespmem:$0x18200] =	vst v63  }
0xd6: {  	s23 =	simm.s32 $0x7A00  }
0xd7: {  	[tilespmem:s23], [sflag:$0x1] =	stream.indirect_vreg.gather [hbm4b:s8+s3], $0x80, v3, vm0, $0xb8;
	[tilespmem:$0x18200] =	vst v63  }
0xd8: {  	_ =	swait.ge [sflag:s16], $0x8000  }
0xd9: {  	[sflag:s16] =	ssyncset.done $0x0  }
0xda: {  	s20 =	sadd.s32 $0x2000, s1;
	s23 =	simm.s32 $0x10200;
	[sflag:s16] =	ssyncadd.s32 $0xFFFF8000  }
0xdb: {  	[hbm4b:s20+s3] =	stream.linear.scatter [tilespmem:s23], [sflag:$0x6], $0x8000, $0x38;
	[tilespmem:$0x18200] =	vst v63  }
0xdc: {  	_ =	swait.ge [sflag:s17], $0x8000  }
0xdd: {  	[sflag:s17] =	ssyncset.done $0x0  }
0xde: {  	[sflag:s17] =	ssyncadd.s32 $0xFFFF8000  }
0xdf: {  	v3 =	vld [tilespmem:s19+$0xFFFFFFD0];
	_ =	sdelay $0x4  }
0xe0: {  	v60 =	vshll.u32 v3, $0x3  }
0xe1: {  	v3 =	vand.u32 $0x7, v3;
	v4 =	vand.u32 $0xFFFFFFC0, v60  }
0xe2: {  	v3 =	vor.u32 v3, v4  }
0xe3: {  	v4 =	vperm.xlane v3, v0;
	_ =	sdelay $0x1  }
0xe4: {  	v4 =	vadd.s32 v1, v4;
	_ =	sdelay $0x4  }
0xe5: {  	[tilespmem:s9], [sflag:$0x2] =	stream.indirect_vreg.gather [hbm4b:s2+s3], $0x80, v4, vm0, $0xb8;
	[tilespmem:$0x18200] =	vst v63  }
0xe6: {  	s21 =	simm.s32 $0x8A00;
	v3 =	vperm.xlane v3, v2  }
0xe7: {  	[tilespmem:s21], [sflag:$0x2] =	stream.indirect_vreg.gather [hbm4b:s5+s3], $0x80, v4, vm0, $0xb8;
	[tilespmem:$0x18200] =	vst v63  }
0xe8: {  	v3 =	vadd.s32 v1, v3  }
0xe9: {  	[tilespmem:s4], [sflag:$0x2] =	stream.indirect_vreg.gather [hbm4b:s6+s3], $0x80, v4, vm0, $0xb8;
	[tilespmem:$0x18200] =	vst v63  }
0xea: {  	_ = 	snop  }
0xeb: {  	[tilespmem:s22], [sflag:$0x2] =	stream.indirect_vreg.gather [hbm4b:s8+s3], $0x80, v4, vm0, $0xb8;
	[tilespmem:$0x18200] =	vst v63  }
0xec: {  	s9 =	simm.s32 $0xA200  }
0xed: {  	[tilespmem:s9], [sflag:$0x2] =	stream.indirect_vreg.gather [hbm4b:s2+s3], $0x80, v3, vm0, $0xb8;
	[tilespmem:$0x18200] =	vst v63  }
0xee: {  	s9 =	simm.s32 $0xAA00  }
0xef: {  	[tilespmem:s9], [sflag:$0x2] =	stream.indirect_vreg.gather [hbm4b:s5+s3], $0x80, v3, vm0, $0xb8;
	[tilespmem:$0x18200] =	vst v63  }
0xf0: {  	_ = 	snop  }
0xf1: {  	[tilespmem:s10], [sflag:$0x2] =	stream.indirect_vreg.gather [hbm4b:s6+s3], $0x80, v3, vm0, $0xb8;
	[tilespmem:$0x18200] =	vst v63  }
0xf2: {  	_ = 	snop  }
0xf3: {  	[tilespmem:s24], [sflag:$0x2] =	stream.indirect_vreg.gather [hbm4b:s8+s3], $0x80, v3, vm0, $0xb8;
	[tilespmem:$0x18200] =	vst v63  }
0xf4: {  	v3 =	vld [tilespmem:s19+$0xFFFFFFE0];
	_ =	sdelay $0x4  }
0xf5: {  	v61 =	vshll.u32 v3, $0x3  }
0xf6: {  	v3 =	vand.u32 $0x7, v3;
	v4 =	vand.u32 $0xFFFFFFC0, v61  }
0xf7: {  	v3 =	vor.u32 v3, v4  }
0xf8: {  	v4 =	vperm.xlane v3, v0;
	_ =	sdelay $0x1  }
0xf9: {  	v4 =	vadd.s32 v1, v4;
	_ =	sdelay $0x3  }
0xfa: {  	s9 =	simm.s32 $0xC200  }
0xfb: {  	[tilespmem:s9], [sflag:$0x2] =	stream.indirect_vreg.gather [hbm4b:s2+s3], $0x80, v4, vm0, $0xb8;
	[tilespmem:$0x18200] =	vst v63  }
0xfc: {  	v3 =	vperm.xlane v3, v2  }
0xfd: {  	[tilespmem:s25], [sflag:$0x2] =	stream.indirect_vreg.gather [hbm4b:s5+s3], $0x80, v4, vm0, $0xb8;
	[tilespmem:$0x18200] =	vst v63  }
0xfe: {  	v3 =	vadd.s32 v1, v3  }
0xff: {  	[tilespmem:s12], [sflag:$0x2] =	stream.indirect_vreg.gather [hbm4b:s6+s3], $0x80, v4, vm0, $0xb8;
	[tilespmem:$0x18200] =	vst v63  }
0x100: {  	_ = 	snop  }
0x101: {  	[tilespmem:s26], [sflag:$0x2] =	stream.indirect_vreg.gather [hbm4b:s8+s3], $0x80, v4, vm0, $0xb8;
	[tilespmem:$0x18200] =	vst v63  }
0x102: {  	_ = 	snop  }
0x103: {  	[tilespmem:s7], [sflag:$0x2] =	stream.indirect_vreg.gather [hbm4b:s2+s3], $0x80, v3, vm0, $0xb8;
	[tilespmem:$0x18200] =	vst v63  }
0x104: {  	_ = 	snop  }
0x105: {  	[tilespmem:s28], [sflag:$0x2] =	stream.indirect_vreg.gather [hbm4b:s5+s3], $0x80, v3, vm0, $0xb8;
	[tilespmem:$0x18200] =	vst v63  }
0x106: {  	_ = 	snop  }
0x107: {  	[tilespmem:s13], [sflag:$0x2] =	stream.indirect_vreg.gather [hbm4b:s6+s3], $0x80, v3, vm0, $0xb8;
	[tilespmem:$0x18200] =	vst v63  }
0x108: {  	_ = 	snop  }
0x109: {  	[tilespmem:s14], [sflag:$0x2] =	stream.indirect_vreg.gather [hbm4b:s8+s3], $0x80, v3, vm0, $0xb8;
	[tilespmem:$0x18200] =	vst v63  }
0x10a: {  	_ =	swait.ge [sflag:s29], $0x8000  }
0x10b: {  	[sflag:s29] =	ssyncset.done $0x0  }
0x10c: {  	s1 =	sadd.s32 $0x3000, s1;
	[sflag:s29] =	ssyncadd.s32 $0xFFFF8000  }
0x10d: {  	[hbm4b:s1+s3] =	stream.linear.scatter [tilespmem:s31], [sflag:$0x4], $0x8000, $0x38;
	[tilespmem:$0x18200] =	vst v63  }
0x10e: {  	_ =	swait.ge [sflag:s18], $0x8000  }
0x10f: {  	[sflag:s18] =	ssyncset.done $0x0  }
0x110: {  	[sflag:s18] =	ssyncadd.s32 $0xFFFF8000  }
0x111: {  	v3 =	vld [tilespmem:s19+$0xFFFFFFF0];
	_ =	sdelay $0x4  }
0x112: {  	v62 =	vshll.u32 v3, $0x3  }
0x113: {  	v3 =	vand.u32 $0x7, v3;
	v4 =	vand.u32 $0xFFFFFFC0, v62  }
0x114: {  	v3 =	vor.u32 v3, v4  }
0x115: {  	v4 =	vperm.xlane v3, v0;
	_ =	sdelay $0x1  }
0x116: {  	v4 =	vadd.s32 v1, v4;
	_ =	sdelay $0x4  }
0x117: {  	[tilespmem:s23], [sflag:$0x3] =	stream.indirect_vreg.gather [hbm4b:s2+s3], $0x80, v4, vm0, $0xb8;
	[tilespmem:$0x18200] =	vst v63  }
0x118: {  	v3 =	vperm.xlane v3, v2  }
0x119: {  	[tilespmem:s11], [sflag:$0x3] =	stream.indirect_vreg.gather [hbm4b:s5+s3], $0x80, v4, vm0, $0xb8;
	[tilespmem:$0x18200] =	vst v63  }
0x11a: {  	s9 =	simm.s32 $0x11200;
	v3 =	vadd.s32 v1, v3  }
0x11b: {  	[tilespmem:s9], [sflag:$0x3] =	stream.indirect_vreg.gather [hbm4b:s6+s3], $0x80, v4, vm0, $0xb8;
	[tilespmem:$0x18200] =	vst v63  }
0x11c: {  	s23 =	simm.s32 $0x11A00  }
0x11d: {  	[tilespmem:s23], [sflag:$0x3] =	stream.indirect_vreg.gather [hbm4b:s8+s3], $0x80, v4, vm0, $0xb8;
	[tilespmem:$0x18200] =	vst v63  }
0x11e: {  	s9 =	simm.s32 $0x12200  }
0x11f: {  	[tilespmem:s9], [sflag:$0x3] =	stream.indirect_vreg.gather [hbm4b:s2+s3], $0x80, v3, vm0, $0xb8;
	[tilespmem:$0x18200] =	vst v63  }
0x120: {  	s23 =	simm.s32 $0x12A00  }
0x121: {  	[tilespmem:s23], [sflag:$0x3] =	stream.indirect_vreg.gather [hbm4b:s5+s3], $0x80, v3, vm0, $0xb8;
	[tilespmem:$0x18200] =	vst v63  }
0x122: {  	s9 =	simm.s32 $0x13200  }
0x123: {  	[tilespmem:s9], [sflag:$0x3] =	stream.indirect_vreg.gather [hbm4b:s6+s3], $0x80, v3, vm0, $0xb8;
	[tilespmem:$0x18200] =	vst v63  }
0x124: {  	s23 =	simm.s32 $0x13A00  }
0x125: {  	[tilespmem:s23], [sflag:$0x3] =	stream.indirect_vreg.gather [hbm4b:s8+s3], $0x80, v3, vm0, $0xb8;
	[tilespmem:$0x18200] =	vst v63  }
0x126: {  	v3 =	vld [tilespmem:s19+$0x0];
	_ =	sdelay $0x4  }
0x127: {  	v63 =	vshll.u32 v3, $0x3  }
0x128: {  	v3 =	vand.u32 $0x7, v3;
	v4 =	vand.u32 $0xFFFFFFC0, v63  }
0x129: {  	v3 =	vor.u32 v3, v4  }
0x12a: {  	v4 =	vperm.xlane v3, v0;
	_ =	sdelay $0x1  }
0x12b: {  	v4 =	vadd.s32 v1, v4;
	_ =	sdelay $0x3  }
0x12c: {  	s9 =	simm.s32 $0x14200  }
0x12d: {  	[tilespmem:s9], [sflag:$0x3] =	stream.indirect_vreg.gather [hbm4b:s2+s3], $0x80, v4, vm0, $0xb8;
	[tilespmem:$0x18200] =	vst v63  }
0x12e: {  	s23 =	simm.s32 $0x14A00;
	v3 =	vperm.xlane v3, v2  }
0x12f: {  	[tilespmem:s23], [sflag:$0x3] =	stream.indirect_vreg.gather [hbm4b:s5+s3], $0x80, v4, vm0, $0xb8;
	[tilespmem:$0x18200] =	vst v63  }
0x130: {  	v3 =	vadd.s32 v1, v3;
	s9 =	simm.s32 $0x15200  }
0x131: {  	[tilespmem:s9], [sflag:$0x3] =	stream.indirect_vreg.gather [hbm4b:s6+s3], $0x80, v4, vm0, $0xb8;
	[tilespmem:$0x18200] =	vst v63  }
0x132: {  	s23 =	simm.s32 $0x15A00  }
0x133: {  	[tilespmem:s23], [sflag:$0x3] =	stream.indirect_vreg.gather [hbm4b:s8+s3], $0x80, v4, vm0, $0xb8;
	[tilespmem:$0x18200] =	vst v63  }
0x134: {  	s9 =	simm.s32 $0x16200  }
0x135: {  	[tilespmem:s9], [sflag:$0x3] =	stream.indirect_vreg.gather [hbm4b:s2+s3], $0x80, v3, vm0, $0xb8;
	[tilespmem:$0x18200] =	vst v63  }
0x136: {  	p0 =	sne.s32 s0, $0x9000;
	s23 =	simm.s32 $0x16A00  }
0x137: {  	[tilespmem:s23], [sflag:$0x3] =	stream.indirect_vreg.gather [hbm4b:s5+s3], $0x80, v3, vm0, $0xb8;
	[tilespmem:$0x18200] =	vst v63  }
.Ltmp0:
0x138: {  	_ = 	snop;
	(pc) =	sbr.rel @p0 .LBB2_2-.Ltmp0, $4  }
0x139: {  	s0 =	sadd.s32 $0x3000, s0;
	s20 =	simm.s32 $0x8200;
	s9 =	simm.s32 $0x17200  }
0x13a: {  	[tilespmem:s9], [sflag:$0x3] =	stream.indirect_vreg.gather [hbm4b:s6+s3], $0x80, v3, vm0, $0xb8;
	[tilespmem:$0x18200] =	vst v63  }
0x13b: {  	s31 =	simm.s32 $0x10200;
	s19 =	sadd.s32 $0x60, s19;
	s23 =	simm.s32 $0x17A00  }
0x13c: {  	[tilespmem:s23], [sflag:$0x3] =	stream.indirect_vreg.gather [hbm4b:s8+s3], $0x80, v3, vm0, $0xb8;
	[tilespmem:$0x18200] =	vst v63  }
0x13d: {  	_ =	swait.ge [sflag:s15], $0x8000  }
0x13e: {  	[sflag:s15] =	ssyncset.done $0x0  }
0x13f: {  	s0 =	rddreg [dreg:$0x7];
	[sflag:s15] =	ssyncadd.s32 $0xFFFF8000  }
0x140: {  	[hbm4b:s0+s3] =	stream.linear.scatter [tilespmem:s20], [sflag:$0x5], $0x8000, $0x38;
	[tilespmem:$0x18200] =	vst v63  }
0x141: {  	_ =	swait.ge [sflag:s30], $0x8000  }
0x142: {  	[sflag:s30] =	ssyncset.done $0x0  }
0x143: {  	[sflag:s30] =	ssyncadd.s32 $0xFFFF8000  }
0x144: {  	v3 =	vld [tilespmem:$0x1E0];
	_ =	sdelay $0x4  }
0x145: {  	v4 =	vshll.u32 v3, $0x3  }
0x146: {  	v3 =	vand.u32 $0x7, v3;
	v4 =	vand.u32 $0xFFFFFFC0, v4  }
0x147: {  	v3 =	vor.u32 v3, v4  }
0x148: {  	v4 =	vperm.xlane v3, v0;
	_ =	sdelay $0x1  }
0x149: {  	v4 =	vadd.s32 v1, v4;
	_ =	sdelay $0x3  }
0x14a: {  	s1 =	simm.s32 $0x200  }
0x14b: {  	[tilespmem:s1], [sflag:$0x1] =	stream.indirect_vreg.gather [hbm4b:s2+s3], $0x80, v4, vm0, $0xb8;
	[tilespmem:$0x18200] =	vst v63  }
0x14c: {  	s22 =	simm.s32 $0xA00;
	v3 =	vperm.xlane v3, v2  }
0x14d: {  	[tilespmem:s22], [sflag:$0x1] =	stream.indirect_vreg.gather [hbm4b:s5+s3], $0x80, v4, vm0, $0xb8;
	[tilespmem:$0x18200] =	vst v63  }
0x14e: {  	s23 =	simm.s32 $0x1200;
	v3 =	vadd.s32 v1, v3  }
0x14f: {  	[tilespmem:s23], [sflag:$0x1] =	stream.indirect_vreg.gather [hbm4b:s6+s3], $0x80, v4, vm0, $0xb8;
	[tilespmem:$0x18200] =	vst v63  }
0x150: {  	s24 =	simm.s32 $0x1A00  }
0x151: {  	[tilespmem:s24], [sflag:$0x1] =	stream.indirect_vreg.gather [hbm4b:s8+s3], $0x80, v4, vm0, $0xb8;
	[tilespmem:$0x18200] =	vst v63  }
0x152: {  	s25 =	simm.s32 $0x2200  }
0x153: {  	[tilespmem:s25], [sflag:$0x1] =	stream.indirect_vreg.gather [hbm4b:s2+s3], $0x80, v3, vm0, $0xb8;
	[tilespmem:$0x18200] =	vst v63  }
0x154: {  	s26 =	simm.s32 $0x2A00  }
0x155: {  	[tilespmem:s26], [sflag:$0x1] =	stream.indirect_vreg.gather [hbm4b:s5+s3], $0x80, v3, vm0, $0xb8;
	[tilespmem:$0x18200] =	vst v63  }
0x156: {  	s4 =	simm.s32 $0x3200  }
0x157: {  	[tilespmem:s4], [sflag:$0x1] =	stream.indirect_vreg.gather [hbm4b:s6+s3], $0x80, v3, vm0, $0xb8;
	[tilespmem:$0x18200] =	vst v63  }
0x158: {  	s7 =	simm.s32 $0x3A00  }
0x159: {  	[tilespmem:s7], [sflag:$0x1] =	stream.indirect_vreg.gather [hbm4b:s8+s3], $0x80, v3, vm0, $0xb8;
	[tilespmem:$0x18200] =	vst v63  }
0x15a: {  	v3 =	vld [tilespmem:$0x1F0];
	_ =	sdelay $0x4  }
0x15b: {  	v63 =	vshll.u32 v3, $0x3  }
0x15c: {  	v3 =	vand.u32 $0x7, v3;
	v4 =	vand.u32 $0xFFFFFFC0, v63  }
0x15d: {  	v3 =	vor.u32 v3, v4  }
0x15e: {  	v4 =	vperm.xlane v3, v0;
	_ =	sdelay $0x1  }
0x15f: {  	v4 =	vadd.s32 v1, v4;
	_ =	sdelay $0x3  }
0x160: {  	s9 =	simm.s32 $0x4200  }
0x161: {  	[tilespmem:s9], [sflag:$0x1] =	stream.indirect_vreg.gather [hbm4b:s2+s3], $0x80, v4, vm0, $0xb8;
	[tilespmem:$0x18200] =	vst v63  }
0x162: {  	s10 =	simm.s32 $0x4A00;
	v3 =	vperm.xlane v3, v2  }
0x163: {  	[tilespmem:s10], [sflag:$0x1] =	stream.indirect_vreg.gather [hbm4b:s5+s3], $0x80, v4, vm0, $0xb8;
	[tilespmem:$0x18200] =	vst v63  }
0x164: {  	s11 =	simm.s32 $0x5200;
	v3 =	vadd.s32 v1, v3  }
0x165: {  	[tilespmem:s11], [sflag:$0x1] =	stream.indirect_vreg.gather [hbm4b:s6+s3], $0x80, v4, vm0, $0xb8;
	[tilespmem:$0x18200] =	vst v63  }
0x166: {  	s12 =	simm.s32 $0x5A00  }
0x167: {  	[tilespmem:s12], [sflag:$0x1] =	stream.indirect_vreg.gather [hbm4b:s8+s3], $0x80, v4, vm0, $0xb8;
	[tilespmem:$0x18200] =	vst v63  }
0x168: {  	s13 =	simm.s32 $0x6200  }
0x169: {  	[tilespmem:s13], [sflag:$0x1] =	stream.indirect_vreg.gather [hbm4b:s2+s3], $0x80, v3, vm0, $0xb8;
	[tilespmem:$0x18200] =	vst v63  }
0x16a: {  	s14 =	simm.s32 $0x6A00  }
0x16b: {  	[tilespmem:s14], [sflag:$0x1] =	stream.indirect_vreg.gather [hbm4b:s5+s3], $0x80, v3, vm0, $0xb8;
	[tilespmem:$0x18200] =	vst v63  }
0x16c: {  	s19 =	simm.s32 $0x7200  }
0x16d: {  	[tilespmem:s19], [sflag:$0x1] =	stream.indirect_vreg.gather [hbm4b:s6+s3], $0x80, v3, vm0, $0xb8;
	[tilespmem:$0x18200] =	vst v63  }
0x16e: {  	s22 =	simm.s32 $0x7A00  }
0x16f: {  	[tilespmem:s22], [sflag:$0x1] =	stream.indirect_vreg.gather [hbm4b:s8+s3], $0x80, v3, vm0, $0xb8;
	[tilespmem:$0x18200] =	vst v63  }
0x170: {  	_ =	swait.ge [sflag:s16], $0x8000  }
0x171: {  	[sflag:s16] =	ssyncset.done $0x0  }
0x172: {  	s23 =	rddreg [dreg:$0x8];
	[sflag:s16] =	ssyncadd.s32 $0xFFFF8000  }
0x173: {  	[hbm4b:s23+s3] =	stream.linear.scatter [tilespmem:s31], [sflag:$0x6], $0x8000, $0x38;
	[tilespmem:$0x18200] =	vst v63  }
0x174: {  	_ =	swait.ge [sflag:s29], $0x8000  }
0x175: {  	[sflag:s29] =	ssyncset.done $0x0  }
0x176: {  	s24 =	rddreg [dreg:$0x9];
	[sflag:s29] =	ssyncadd.s32 $0xFFFF8000  }
0x177: {  	[hbm4b:s24+s3] =	stream.linear.scatter [tilespmem:s1], [sflag:$0x4], $0x8000, $0x38;
	[tilespmem:$0x18200] =	vst v63  }
0x178: {  	_ =	swait.ge [sflag:s17], $0x8000  }
0x179: {  	[sflag:s17] =	ssyncset.done $0x0  }
0x17a: {  	[sflag:s17] =	ssyncadd.s32 $0xFFFF8000  }
0x17b: {  	_ =	swait.ge [sflag:s18], $0x8000  }
0x17c: {  	[sflag:s18] =	ssyncset.done $0x0  }
0x17d: {  	[sflag:s18] =	ssyncadd.s32 $0xFFFF8000  }
0x17e: {  	_ =	swait.ge [sflag:s30], $0x8000  }
0x17f: {  	s26 =	rddreg [dreg:$0xb]  }
0x180: {  	s28 =	simm.s32 $0x10A00;
	s25 =	rddreg [dreg:$0xa];
	s26 =	sadd.s32 $0x1, s26  }
0x181: {  	s4 =	simm.s32 $0x9A00;
	s7 =	simm.s32 $0xE200;
	p0 =	sne.s32 s26, s25  }
.Ltmp1:
0x182: {  	s9 =	simm.s32 $0xA200;
	s10 =	simm.s32 $0xB200;
	(pc) =	sbr.rel @p0 .LBB2_1-.Ltmp1, $4  }
0x183: {  	s11 =	simm.s32 $0xC200;
	s12 =	simm.s32 $0xD200;
	s13 =	simm.s32 $0xF200  }
0x184: {  	s14 =	simm.s32 $0xFA00;
	s19 =	simm.s32 $0xAA00;
	s22 =	simm.s32 $0xBA00  }
0x185: {  	s23 =	simm.s32 $0xCA00;
	s1 =	simm.s32 $0x9200;
	[sflag:s30] =	ssyncset.done $0x0  }
0x186: {  	s24 =	simm.s32 $0xDA00;
	[sflag:s30] =	ssyncadd.s32 $0xFFFF8000;
	s25 =	simm.s32 $0xEA00  }
0x187: {  	_ =	sfence.sel $0x180000  }
0x188: {  	[bflag:$0x0] =	sbarrier.arrive $0xFFFF  }
0x189: {  	_ =	strace $0x90000047  }
0x18a: {  	s0 =	stileid.u32;
	[bflag:$0x2] =	sbarrier.arrive $0xFFFF  }
0x18b: {  	p0 =	sne.s32 s0, $0x0;
	s0 =	rddreg [dreg:$0x3]  }
0x18c: {  	s0 =	sadd.s32 @!p0 $0x100000, s0  }
0x18d: {  	[sflag:s0] =	ssyncadd.tile.s32 @!p0 $0x1;
	_ =	shalt  }
.Lfunc_end2:
_tile_overlayer_lowered:
.L_overlay_start_2:
0x18e: {  	(tag) =	ssettag $0x2  }
0x18f: {  	s0 =	rddreg [dreg:$0x0];
	s2 =	stileid.u32  }
0x190: {  	s1 =	rddreg [dreg:$0x1];
	p0 =	sne.s32 s2, $0x0  }
0x191: {  	s3 =	rddreg [dreg:$0x2];
	[bflag:$0x3] =	sbarrier.arrive $0xFFFF;
	s2 =	simm.s32 @!p0 $0x1C07  }
0x192: {  	[timem:s3], [sflag:s2] =	dma.local @!p0 [hbm:s0], s1  }
0x193: {  	s0 =	simm.s32 @!p0 $0x7  }
0x194: {  	_ =	swait.ge @!p0 [sflag:s0], s1  }
0x195: {  	s1 =	ssub.s32 @!p0 $0x0, s1;
	[sflag:s0] =	ssyncset.done @!p0 $0x0  }
0x196: {  	[sflag:s0] =	ssyncadd.s32 @!p0 s1  }
0x197: {  	[bflag:$0x3] =	sbarrier.arrive $0xFFFF  }
0x198: {  	_ =	shalt  }

</sc_bundles>
